<compile_context>
chip_gen: v7x
topology: tpu7x:2x2x1
jax: 0.10.2.dev20260603
libtpu: 0.0.44.dev20260713+nightly
codegen_flags: <defaults>
</compile_context>

<pallas_src>
import jax
import jax.numpy as jnp
from jax import lax
from jax.experimental import pallas as pl
from jax.experimental.pallas import tpu as pltpu
from jax.experimental.pallas import tpu_sc as plsc

N = 10000
E = 320000
D = 128

NUM_CORES = 2
NUM_SUBCORES = 16
CPT = 8
NGROUP = D // CPT
EH = E // 2
WR = 500
CHUNKS = EH // WR
VECS = (WR * CPT) // 16
NBUF = 4


def _t2_body(outT0_ref, outT1_ref, input_ref, out_ref):
    out_ref[...] = (input_ref[...] + outT0_ref[...].T) + outT1_ref[...].T


def _merge_out(outT0, outT1, input):
    return pl.pallas_call(
        _t2_body,
        grid=(1,),
        in_specs=[
            pl.BlockSpec((D, N), lambda i: (0, 0)),
            pl.BlockSpec((D, N), lambda i: (0, 0)),
            pl.BlockSpec((N, D), lambda i: (0, 0)),
        ],
        out_specs=pl.BlockSpec((N, D), lambda i: (0, 0)),
        out_shape=jax.ShapeDtypeStruct((N, D), jnp.float32),
    )(outT0, outT1, input)


def _sc_body(idx_hbm, src_hbm, outT0_hbm, outT1_hbm, acc,
             ib0, ib1, ib2, ib3, sb0, sb1, sb2, sb3,
             si0, si1, si2, si3, ss0, ss1, ss2, ss3):
    core = lax.axis_index("c")
    sub = lax.axis_index("s")
    grp = sub % 8
    half = sub // 8
    gg = core * 8 + grp
    col0 = gg * CPT
    r0 = half * EH

    zeros16 = jnp.zeros((16,), jnp.float32)

    def zero_body(k, _):
        acc[pl.ds(k * 16, 16)] = zeros16
        return 0

    lax.fori_loop(0, (CPT * N) // 16, zero_body, 0, unroll=8)

    lane = lax.iota(jnp.int32, 16)
    cvec = lane % 8
    rpat = lane // 8
    cbase = cvec * N

    def issue(s, ib, sb, isem, ssem):
        row = r0 + s * WR
        pltpu.async_copy(idx_hbm.at[pl.ds(row, WR), pl.ds(col0, CPT)], ib, isem)
        pltpu.async_copy(src_hbm.at[pl.ds(row, WR), pl.ds(col0, CPT)], sb, ssem)

    def wait_pair(ib, sb, isem, ssem):
        pltpu.make_async_copy(
            idx_hbm.at[pl.ds(0, WR), pl.ds(col0, CPT)], ib, isem).wait()
        pltpu.make_async_copy(
            src_hbm.at[pl.ds(0, WR), pl.ds(col0, CPT)], sb, ssem).wait()

    def compute(ib, sb):
        @plsc.parallel_loop(0, VECS, step=1, unroll=8)
        def _(t):
            rvec = rpat + jnp.full((16,), t * 2, jnp.int32)
            iv = plsc.load_gather(ib, [rvec, cvec])
            sv = plsc.load_gather(sb, [rvec, cvec])
            plsc.addupdate_scatter(acc, [iv + cbase], sv)

    bufs = [(ib0, sb0, si0, ss0), (ib1, sb1, si1, ss1),
            (ib2, sb2, si2, ss2), (ib3, sb3, si3, ss3)]

    for b in range(NBUF):
        issue(jnp.int32(b), *bufs[b])

    def stepn(sn, _):
        s = sn * NBUF
        for b in range(NBUF):
            ib, sb, isem, ssem = bufs[b]
            wait_pair(ib, sb, isem, ssem)
            compute(ib, sb)

            @pl.when(s + b + NBUF < CHUNKS)
            def _():
                issue(s + b + NBUF, ib, sb, isem, ssem)

        return 0

    lax.fori_loop(0, CHUNKS // NBUF, stepn, 0)

    @pl.when(half == 0)
    def _():
        for c in range(CPT):
            pltpu.sync_copy(acc.at[pl.ds(c * N, N)], outT0_hbm.at[col0 + c, :])

    @pl.when(half == 1)
    def _():
        for c in range(CPT):
            pltpu.sync_copy(acc.at[pl.ds(c * N, N)], outT1_hbm.at[col0 + c, :])


def _sc_scatter(index, src):
    mesh = plsc.VectorSubcoreMesh(core_axis_name="c", subcore_axis_name="s")
    f = pl.kernel(
        _sc_body,
        out_type=[
            jax.ShapeDtypeStruct((D, N), jnp.float32),
            jax.ShapeDtypeStruct((D, N), jnp.float32),
        ],
        mesh=mesh,
        scratch_types=[
            pltpu.VMEM((CPT * N,), jnp.float32),
            pltpu.VMEM((WR, CPT), jnp.int32),
            pltpu.VMEM((WR, CPT), jnp.int32),
            pltpu.VMEM((WR, CPT), jnp.int32),
            pltpu.VMEM((WR, CPT), jnp.int32),
            pltpu.VMEM((WR, CPT), jnp.float32),
            pltpu.VMEM((WR, CPT), jnp.float32),
            pltpu.VMEM((WR, CPT), jnp.float32),
            pltpu.VMEM((WR, CPT), jnp.float32),
            pltpu.SemaphoreType.DMA,
            pltpu.SemaphoreType.DMA,
            pltpu.SemaphoreType.DMA,
            pltpu.SemaphoreType.DMA,
            pltpu.SemaphoreType.DMA,
            pltpu.SemaphoreType.DMA,
            pltpu.SemaphoreType.DMA,
            pltpu.SemaphoreType.DMA,
        ],
        compiler_params=pltpu.CompilerParams(
            use_tc_tiling_on_sc=False, needs_layout_passes=False
        ),
    )
    return f(index, src)


@jax.jit
def kernel(input, index, src):
    outT0, outT1 = _sc_scatter(index, src)
    return _merge_out(outT0, outT1, input)

# --- scband reference (transcript-rebuilt; emitter-appended) ---
"""Pipeline reference for scband-scatter-reduce-module-35777077575726 (READ-ONLY COPY).

The authoritative reference and input builder live on the scoring server;
editing this copy changes nothing except your own understanding.
"""

import jax, jax.numpy as jnp
import numpy as np

N = 10000
E = 320000
D = 128

def setup_inputs(seed: int = 0) -> dict:
    key = jax.random.key(seed)
    k1, k2, k3 = jax.random.split(key, 3)
    inp = jax.random.normal(k1, (N, D), dtype=jnp.float32)
    index = jax.random.randint(k2, (E, D), 0, N)
    src = jax.random.normal(k3, (E, D), dtype=jnp.float32)
    return {"input": inp, "index": index, "src": src}

def reference(input, index, src):
    # torch.ops.aten.scatter_reduce(input, 0, index, src, 'sum', include_self=True)
    # out[index[i, j], j] += src[i, j]; out initialized to input (include_self=True)
    cols = jnp.broadcast_to(jnp.arange(input.shape[1]), index.shape)
    out = input.at[index, cols].add(src)
    return out

if __name__ == "__main__":
    import jax
    _d = setup_inputs()
    print(jax.jit(kernel)(*tuple(_d.values())))

</pallas_src>

<mosaic_0001>
#map = affine_map<(d0, d1) -> (0, 0)>
module attributes {stable_mosaic.version = 14 : i64} {
  func.func @_sc_body(%arg0: i32, %arg1: i32, %arg2: memref<320000x128xi32, #tpu.memory_space<hbm>>, %arg3: memref<320000x128xf32, #tpu.memory_space<hbm>>, %arg4: memref<128x10000xf32, #tpu.memory_space<hbm>>, %arg5: memref<128x10000xf32, #tpu.memory_space<hbm>>, %arg6: memref<80000xf32, #tpu.memory_space<vmem>>, %arg7: memref<500x8xi32, #tpu.memory_space<vmem>>, %arg8: memref<500x8xi32, #tpu.memory_space<vmem>>, %arg9: memref<500x8xi32, #tpu.memory_space<vmem>>, %arg10: memref<500x8xi32, #tpu.memory_space<vmem>>, %arg11: memref<500x8xf32, #tpu.memory_space<vmem>>, %arg12: memref<500x8xf32, #tpu.memory_space<vmem>>, %arg13: memref<500x8xf32, #tpu.memory_space<vmem>>, %arg14: memref<500x8xf32, #tpu.memory_space<vmem>>, %arg15: memref<!tpu.dma_semaphore, #tpu.memory_space<semaphore_mem>>, %arg16: memref<!tpu.dma_semaphore, #tpu.memory_space<semaphore_mem>>, %arg17: memref<!tpu.dma_semaphore, #tpu.memory_space<semaphore_mem>>, %arg18: memref<!tpu.dma_semaphore, #tpu.memory_space<semaphore_mem>>, %arg19: memref<!tpu.dma_semaphore, #tpu.memory_space<semaphore_mem>>, %arg20: memref<!tpu.dma_semaphore, #tpu.memory_space<semaphore_mem>>, %arg21: memref<!tpu.dma_semaphore, #tpu.memory_space<semaphore_mem>>, %arg22: memref<!tpu.dma_semaphore, #tpu.memory_space<semaphore_mem>>) attributes {dimension_semantics = [#tpu.dimension_semantics<core_parallel>, #tpu.dimension_semantics<subcore_parallel>], iteration_bounds = array<i64: 2, 16>, scalar_prefetch = 0 : i64, scratch_operands = 17 : i64, tpu.core_type = #tpu.core_type<sc_vector_subcore>, window_params = [{transform_indices = #map}, {transform_indices = #map}, {transform_indices = #map}, {transform_indices = #map}]} {
    %jit3A = arith.constant 8 : i32
    %eq3A = arith.constant 0 : i32
    %eq3A_0 = arith.cmpi eq, %jit3A, %eq3A : i32
    %jit3A_1 = arith.constant 1 : i32
    %select_n3A = arith.select %eq3A_0, %jit3A_1, %jit3A : i32
    %rem3A = arith.remsi %arg1, %select_n3A : i32
    %ne3A = arith.constant 0 : i32
    %ne3A_2 = arith.cmpi ne, %rem3A, %ne3A : i32
    %lt3A = arith.constant 0 : i32
    %lt3A_3 = arith.cmpi slt, %rem3A, %lt3A : i32
    %lt3A_4 = arith.constant 0 : i32
    %lt3A_5 = arith.cmpi slt, %select_n3A, %lt3A_4 : i32
    %ne3A_6 = arith.xori %lt3A_3, %lt3A_5 : i1
    %and3A = arith.andi %ne3A_6, %ne3A_2 : i1
    %add3A = arith.addi %rem3A, %select_n3A : i32
    %select_n3A_7 = arith.select %and3A, %add3A, %rem3A : i32
    %jit3A_8 = arith.constant 8 : i32
    %div3A = arith.divsi %arg1, %jit3A_8 : i32
    %sign3A = arith.constant 0 : i32
    %sign3A_9 = arith.cmpi sgt, %arg1, %sign3A : i32
    %sign3A_10 = arith.extui %sign3A_9 : i1 to i32
    %sign3A_11 = arith.constant 0 : i32
    %sign3A_12 = arith.cmpi slt, %arg1, %sign3A_11 : i32
    %sign3A_13 = arith.extui %sign3A_12 : i1 to i32
    %sign3A_14 = arith.subi %sign3A_10, %sign3A_13 : i32
    %sign3A_15 = arith.constant 0 : i32
    %sign3A_16 = arith.cmpi sgt, %jit3A_8, %sign3A_15 : i32
    %sign3A_17 = arith.extui %sign3A_16 : i1 to i32
    %sign3A_18 = arith.constant 0 : i32
    %sign3A_19 = arith.cmpi slt, %jit3A_8, %sign3A_18 : i32
    %sign3A_20 = arith.extui %sign3A_19 : i1 to i32
    %sign3A_21 = arith.subi %sign3A_17, %sign3A_20 : i32
    %ne3A_22 = arith.cmpi ne, %sign3A_14, %sign3A_21 : i32
    %rem3A_23 = arith.remsi %arg1, %jit3A_8 : i32
    %ne3A_24 = arith.constant 0 : i32
    %ne3A_25 = arith.cmpi ne, %rem3A_23, %ne3A_24 : i32
    %and3A_26 = arith.andi %ne3A_22, %ne3A_25 : i1
    %sub3A = arith.constant 1 : i32
    %sub3A_27 = arith.subi %div3A, %sub3A : i32
    %select_n3A_28 = arith.select %and3A_26, %sub3A_27, %div3A : i32
    %mul3A = arith.constant 8 : i32
    %mul3A_29 = arith.muli %arg0, %mul3A : i32
    %add3A_30 = arith.addi %mul3A_29, %select_n3A_7 : i32
    %mul3A_31 = arith.constant 8 : i32
    %mul3A_32 = arith.muli %add3A_30, %mul3A_31 : i32
    %mul3A_33 = arith.constant 160000 : i32
    %mul3A_34 = arith.muli %select_n3A_28, %mul3A_33 : i32
    %broadcast_in_dim3A = arith.constant 0.000000e+00 : f32
    %broadcast_in_dim3A_35 = vector.broadcast %broadcast_in_dim3A : f32 to vector<16xf32>
    %scan3A = arith.constant 0 : i32
    %scan3A_36 = arith.constant 0 : i32
    %scan3A_37 = arith.constant 5000 : i32
    %scan3A_38 = arith.addi %scan3A_36, %scan3A_37 : i32
    %scan3A_39 = arith.constant 8 : i32
    %scan3A_40 = scf.for %scan3A_144 = %scan3A_36 to %scan3A_38 step %scan3A_39 iter_args(%scan3A_145 = %scan3A) -> (i32)  : i32 {
      %mul3A_146 = arith.constant 16 : i32
      %mul3A_147 = arith.muli %scan3A_144, %mul3A_146 : i32
      %swap3A = arith.index_cast %mul3A_147 : i32 to index
      %swap3A_148 = tpu.vector_load %arg6[%swap3A] {strides = array<i32>} : memref<80000xf32, #tpu.memory_space<vmem>>, vector<16xf32>,
      tpu.vector_store %arg6[%swap3A], %broadcast_in_dim3A_35 {strides = array<i32>} : memref<80000xf32, #tpu.memory_space<vmem>>, vector<16xf32>,
      %scan3A_149 = arith.constant 0 : i32
      %scan3A_150 = arith.constant 1 : i32
      %scan3A_151 = arith.addi %scan3A_144, %scan3A_150 : i32
      %mul3A_152 = arith.constant 16 : i32
      %mul3A_153 = arith.muli %scan3A_151, %mul3A_152 : i32
      %swap3A_154 = arith.index_cast %mul3A_153 : i32 to index
      %swap3A_155 = tpu.vector_load %arg6[%swap3A_154] {strides = array<i32>} : memref<80000xf32, #tpu.memory_space<vmem>>, vector<16xf32>,
      tpu.vector_store %arg6[%swap3A_154], %broadcast_in_dim3A_35 {strides = array<i32>} : memref<80000xf32, #tpu.memory_space<vmem>>, vector<16xf32>,
      %scan3A_156 = arith.constant 0 : i32
      %scan3A_157 = arith.constant 2 : i32
      %scan3A_158 = arith.addi %scan3A_144, %scan3A_157 : i32
      %mul3A_159 = arith.constant 16 : i32
      %mul3A_160 = arith.muli %scan3A_158, %mul3A_159 : i32
      %swap3A_161 = arith.index_cast %mul3A_160 : i32 to index
      %swap3A_162 = tpu.vector_load %arg6[%swap3A_161] {strides = array<i32>} : memref<80000xf32, #tpu.memory_space<vmem>>, vector<16xf32>,
      tpu.vector_store %arg6[%swap3A_161], %broadcast_in_dim3A_35 {strides = array<i32>} : memref<80000xf32, #tpu.memory_space<vmem>>, vector<16xf32>,
      %scan3A_163 = arith.constant 0 : i32
      %scan3A_164 = arith.constant 3 : i32
      %scan3A_165 = arith.addi %scan3A_144, %scan3A_164 : i32
      %mul3A_166 = arith.constant 16 : i32
      %mul3A_167 = arith.muli %scan3A_165, %mul3A_166 : i32
      %swap3A_168 = arith.index_cast %mul3A_167 : i32 to index
      %swap3A_169 = tpu.vector_load %arg6[%swap3A_168] {strides = array<i32>} : memref<80000xf32, #tpu.memory_space<vmem>>, vector<16xf32>,
      tpu.vector_store %arg6[%swap3A_168], %broadcast_in_dim3A_35 {strides = array<i32>} : memref<80000xf32, #tpu.memory_space<vmem>>, vector<16xf32>,
      %scan3A_170 = arith.constant 0 : i32
      %scan3A_171 = arith.constant 4 : i32
      %scan3A_172 = arith.addi %scan3A_144, %scan3A_171 : i32
      %mul3A_173 = arith.constant 16 : i32
      %mul3A_174 = arith.muli %scan3A_172, %mul3A_173 : i32
      %swap3A_175 = arith.index_cast %mul3A_174 : i32 to index
      %swap3A_176 = tpu.vector_load %arg6[%swap3A_175] {strides = array<i32>} : memref<80000xf32, #tpu.memory_space<vmem>>, vector<16xf32>,
      tpu.vector_store %arg6[%swap3A_175], %broadcast_in_dim3A_35 {strides = array<i32>} : memref<80000xf32, #tpu.memory_space<vmem>>, vector<16xf32>,
      %scan3A_177 = arith.constant 0 : i32
      %scan3A_178 = arith.constant 5 : i32
      %scan3A_179 = arith.addi %scan3A_144, %scan3A_178 : i32
      %mul3A_180 = arith.constant 16 : i32
      %mul3A_181 = arith.muli %scan3A_179, %mul3A_180 : i32
      %swap3A_182 = arith.index_cast %mul3A_181 : i32 to index
      %swap3A_183 = tpu.vector_load %arg6[%swap3A_182] {strides = array<i32>} : memref<80000xf32, #tpu.memory_space<vmem>>, vector<16xf32>,
      tpu.vector_store %arg6[%swap3A_182], %broadcast_in_dim3A_35 {strides = array<i32>} : memref<80000xf32, #tpu.memory_space<vmem>>, vector<16xf32>,
      %scan3A_184 = arith.constant 0 : i32
      %scan3A_185 = arith.constant 6 : i32
      %scan3A_186 = arith.addi %scan3A_144, %scan3A_185 : i32
      %mul3A_187 = arith.constant 16 : i32
      %mul3A_188 = arith.muli %scan3A_186, %mul3A_187 : i32
      %swap3A_189 = arith.index_cast %mul3A_188 : i32 to index
      %swap3A_190 = tpu.vector_load %arg6[%swap3A_189] {strides = array<i32>} : memref<80000xf32, #tpu.memory_space<vmem>>, vector<16xf32>,
      tpu.vector_store %arg6[%swap3A_189], %broadcast_in_dim3A_35 {strides = array<i32>} : memref<80000xf32, #tpu.memory_space<vmem>>, vector<16xf32>,
      %scan3A_191 = arith.constant 0 : i32
      %scan3A_192 = arith.constant 7 : i32
      %scan3A_193 = arith.addi %scan3A_144, %scan3A_192 : i32
      %mul3A_194 = arith.constant 16 : i32
      %mul3A_195 = arith.muli %scan3A_193, %mul3A_194 : i32
      %swap3A_196 = arith.index_cast %mul3A_195 : i32 to index
      %swap3A_197 = tpu.vector_load %arg6[%swap3A_196] {strides = array<i32>} : memref<80000xf32, #tpu.memory_space<vmem>>, vector<16xf32>,
      tpu.vector_store %arg6[%swap3A_196], %broadcast_in_dim3A_35 {strides = array<i32>} : memref<80000xf32, #tpu.memory_space<vmem>>, vector<16xf32>,
      %scan3A_198 = arith.constant 0 : i32
      scf.yield %scan3A_198 : i32
    }
    %scan3A_41 = arith.constant 5000 : i32
    %iota3A = tpu.iota {dimensions = array<i32: 0>} : vector<16xi32>
    %jit3A_42 = arith.constant 8 : i32
    %eq3A_43 = arith.constant 0 : i32
    %eq3A_44 = arith.cmpi eq, %jit3A_42, %eq3A_43 : i32
    %jit3A_45 = arith.constant 1 : i32
    %select_n3A_46 = arith.select %eq3A_44, %jit3A_45, %jit3A_42 : i32
    %rem3A_47 = vector.broadcast %select_n3A_46 : i32 to vector<16xi32>
    %rem3A_48 = arith.remsi %iota3A, %rem3A_47 : vector<16xi32>
    %ne3A_49 = arith.constant 0 : i32
    %ne3A_50 = vector.broadcast %ne3A_49 : i32 to vector<16xi32>
    %ne3A_51 = arith.cmpi ne, %rem3A_48, %ne3A_50 : vector<16xi32>
    %lt3A_52 = arith.constant 0 : i32
    %lt3A_53 = vector.broadcast %lt3A_52 : i32 to vector<16xi32>
    %lt3A_54 = arith.cmpi slt, %rem3A_48, %lt3A_53 : vector<16xi32>
    %lt3A_55 = arith.constant 0 : i32
    %lt3A_56 = arith.cmpi slt, %select_n3A_46, %lt3A_55 : i32
    %ne3A_57 = vector.broadcast %lt3A_56 : i1 to vector<16xi1>
    %ne3A_58 = vector.broadcast %ne3A_57 : vector<16xi1> to vector<16xi1>
    %ne3A_59 = arith.xori %lt3A_54, %ne3A_58 : vector<16xi1>
    %and3A_60 = arith.andi %ne3A_59, %ne3A_51 : vector<16xi1>
    %add3A_61 = vector.broadcast %select_n3A_46 : i32 to vector<16xi32>
    %add3A_62 = arith.addi %rem3A_48, %add3A_61 : vector<16xi32>
    %select_n3A_63 = arith.select %and3A_60, %add3A_62, %rem3A_48 : vector<16xi1>, vector<16xi32>
    %jit3A_64 = arith.constant 8 : i32
    %div3A_65 = vector.broadcast %jit3A_64 : i32 to vector<16xi32>
    %div3A_66 = arith.divsi %iota3A, %div3A_65 : vector<16xi32>
    %sign3A_67 = arith.constant 0 : i32
    %sign3A_68 = vector.broadcast %sign3A_67 : i32 to vector<16xi32>
    %sign3A_69 = arith.cmpi sgt, %iota3A, %sign3A_68 : vector<16xi32>
    %sign3A_70 = arith.extui %sign3A_69 : vector<16xi1> to vector<16xi32>
    %sign3A_71 = arith.constant 0 : i32
    %sign3A_72 = vector.broadcast %sign3A_71 : i32 to vector<16xi32>
    %sign3A_73 = arith.cmpi slt, %iota3A, %sign3A_72 : vector<16xi32>
    %sign3A_74 = arith.extui %sign3A_73 : vector<16xi1> to vector<16xi32>
    %sign3A_75 = arith.subi %sign3A_70, %sign3A_74 : vector<16xi32>
    %sign3A_76 = arith.constant 0 : i32
    %sign3A_77 = arith.cmpi sgt, %jit3A_64, %sign3A_76 : i32
    %sign3A_78 = arith.extui %sign3A_77 : i1 to i32
    %sign3A_79 = arith.constant 0 : i32
    %sign3A_80 = arith.cmpi slt, %jit3A_64, %sign3A_79 : i32
    %sign3A_81 = arith.extui %sign3A_80 : i1 to i32
    %sign3A_82 = arith.subi %sign3A_78, %sign3A_81 : i32
    %ne3A_83 = vector.broadcast %sign3A_82 : i32 to vector<16xi32>
    %ne3A_84 = arith.cmpi ne, %sign3A_75, %ne3A_83 : vector<16xi32>
    %rem3A_85 = vector.broadcast %jit3A_64 : i32 to vector<16xi32>
    %rem3A_86 = arith.remsi %iota3A, %rem3A_85 : vector<16xi32>
    %ne3A_87 = arith.constant 0 : i32
    %ne3A_88 = vector.broadcast %ne3A_87 : i32 to vector<16xi32>
    %ne3A_89 = arith.cmpi ne, %rem3A_86, %ne3A_88 : vector<16xi32>
    %and3A_90 = arith.andi %ne3A_84, %ne3A_89 : vector<16xi1>
    %sub3A_91 = arith.constant 1 : i32
    %sub3A_92 = vector.broadcast %sub3A_91 : i32 to vector<16xi32>
    %sub3A_93 = arith.subi %div3A_66, %sub3A_92 : vector<16xi32>
    %select_n3A_94 = arith.select %and3A_90, %sub3A_93, %div3A_66 : vector<16xi1>, vector<16xi32>
    %mul3A_95 = arith.constant 10000 : i32
    %mul3A_96 = vector.broadcast %mul3A_95 : i32 to vector<16xi32>
    %mul3A_97 = arith.muli %select_n3A_63, %mul3A_96 : vector<16xi32>
    %mul3A_98 = arith.constant 0 : i32
    %mul3A_99 = arith.constant 500 : i32
    %mul3A_100 = arith.muli %mul3A_98, %mul3A_99 : i32
    %add3A_101 = arith.addi %mul3A_34, %mul3A_100 : i32
    %dma_start3A = tpu.memref_slice %arg2[%add3A_101, %mul3A_32] : memref<320000x128xi32, #tpu.memory_space<hbm>> -> memref<500x8xi32, #tpu.memory_space<hbm>>
    %dma_start3A_102 = tpu.memref_slice %arg2[%add3A_101, %mul3A_32] : memref<320000x128xi32, #tpu.memory_space<hbm>> -> memref<500x8xi32, #tpu.memory_space<hbm>>
    tpu.enqueue_dma source(%dma_start3A_102 : memref<500x8xi32, #tpu.memory_space<hbm>>) target(%arg7 : memref<500x8xi32, #tpu.memory_space<vmem>>) target_semaphore(%arg15 : memref<!tpu.dma_semaphore, #tpu.memory_space<semaphore_mem>>)
    %dma_start3A_103 = tpu.memref_slice %arg3[%add3A_101, %mul3A_32] : memref<320000x128xf32, #tpu.memory_space<hbm>> -> memref<500x8xf32, #tpu.memory_space<hbm>>
    %dma_start3A_104 = tpu.memref_slice %arg3[%add3A_101, %mul3A_32] : memref<320000x128xf32, #tpu.memory_space<hbm>> -> memref<500x8xf32, #tpu.memory_space<hbm>>
    tpu.enqueue_dma source(%dma_start3A_104 : memref<500x8xf32, #tpu.memory_space<hbm>>) target(%arg11 : memref<500x8xf32, #tpu.memory_space<vmem>>) target_semaphore(%arg19 : memref<!tpu.dma_semaphore, #tpu.memory_space<semaphore_mem>>)
    %mul3A_105 = arith.constant 1 : i32
    %mul3A_106 = arith.constant 500 : i32
    %mul3A_107 = arith.muli %mul3A_105, %mul3A_106 : i32
    %add3A_108 = arith.addi %mul3A_34, %mul3A_107 : i32
    %dma_start3A_109 = tpu.memref_slice %arg2[%add3A_108, %mul3A_32] : memref<320000x128xi32, #tpu.memory_space<hbm>> -> memref<500x8xi32, #tpu.memory_space<hbm>>
    %dma_start3A_110 = tpu.memref_slice %arg2[%add3A_108, %mul3A_32] : memref<320000x128xi32, #tpu.memory_space<hbm>> -> memref<500x8xi32, #tpu.memory_space<hbm>>
    tpu.enqueue_dma source(%dma_start3A_110 : memref<500x8xi32, #tpu.memory_space<hbm>>) target(%arg8 : memref<500x8xi32, #tpu.memory_space<vmem>>) target_semaphore(%arg16 : memref<!tpu.dma_semaphore, #tpu.memory_space<semaphore_mem>>)
    %dma_start3A_111 = tpu.memref_slice %arg3[%add3A_108, %mul3A_32] : memref<320000x128xf32, #tpu.memory_space<hbm>> -> memref<500x8xf32, #tpu.memory_space<hbm>>
    %dma_start3A_112 = tpu.memref_slice %arg3[%add3A_108, %mul3A_32] : memref<320000x128xf32, #tpu.memory_space<hbm>> -> memref<500x8xf32, #tpu.memory_space<hbm>>
    tpu.enqueue_dma source(%dma_start3A_112 : memref<500x8xf32, #tpu.memory_space<hbm>>) target(%arg12 : memref<500x8xf32, #tpu.memory_space<vmem>>) target_semaphore(%arg20 : memref<!tpu.dma_semaphore, #tpu.memory_space<semaphore_mem>>)
    %mul3A_113 = arith.constant 2 : i32
    %mul3A_114 = arith.constant 500 : i32
    %mul3A_115 = arith.muli %mul3A_113, %mul3A_114 : i32
    %add3A_116 = arith.addi %mul3A_34, %mul3A_115 : i32
    %dma_start3A_117 = tpu.memref_slice %arg2[%add3A_116, %mul3A_32] : memref<320000x128xi32, #tpu.memory_space<hbm>> -> memref<500x8xi32, #tpu.memory_space<hbm>>
    %dma_start3A_118 = tpu.memref_slice %arg2[%add3A_116, %mul3A_32] : memref<320000x128xi32, #tpu.memory_space<hbm>> -> memref<500x8xi32, #tpu.memory_space<hbm>>
    tpu.enqueue_dma source(%dma_start3A_118 : memref<500x8xi32, #tpu.memory_space<hbm>>) target(%arg9 : memref<500x8xi32, #tpu.memory_space<vmem>>) target_semaphore(%arg17 : memref<!tpu.dma_semaphore, #tpu.memory_space<semaphore_mem>>)
    %dma_start3A_119 = tpu.memref_slice %arg3[%add3A_116, %mul3A_32] : memref<320000x128xf32, #tpu.memory_space<hbm>> -> memref<500x8xf32, #tpu.memory_space<hbm>>
    %dma_start3A_120 = tpu.memref_slice %arg3[%add3A_116, %mul3A_32] : memref<320000x128xf32, #tpu.memory_space<hbm>> -> memref<500x8xf32, #tpu.memory_space<hbm>>
    tpu.enqueue_dma source(%dma_start3A_120 : memref<500x8xf32, #tpu.memory_space<hbm>>) target(%arg13 : memref<500x8xf32, #tpu.memory_space<vmem>>) target_semaphore(%arg21 : memref<!tpu.dma_semaphore, #tpu.memory_space<semaphore_mem>>)
    %mul3A_121 = arith.constant 3 : i32
    %mul3A_122 = arith.constant 500 : i32
    %mul3A_123 = arith.muli %mul3A_121, %mul3A_122 : i32
    %add3A_124 = arith.addi %mul3A_34, %mul3A_123 : i32
    %dma_start3A_125 = tpu.memref_slice %arg2[%add3A_124, %mul3A_32] : memref<320000x128xi32, #tpu.memory_space<hbm>> -> memref<500x8xi32, #tpu.memory_space<hbm>>
    %dma_start3A_126 = tpu.memref_slice %arg2[%add3A_124, %mul3A_32] : memref<320000x128xi32, #tpu.memory_space<hbm>> -> memref<500x8xi32, #tpu.memory_space<hbm>>
    tpu.enqueue_dma source(%dma_start3A_126 : memref<500x8xi32, #tpu.memory_space<hbm>>) target(%arg10 : memref<500x8xi32, #tpu.memory_space<vmem>>) target_semaphore(%arg18 : memref<!tpu.dma_semaphore, #tpu.memory_space<semaphore_mem>>)
    %dma_start3A_127 = tpu.memref_slice %arg3[%add3A_124, %mul3A_32] : memref<320000x128xf32, #tpu.memory_space<hbm>> -> memref<500x8xf32, #tpu.memory_space<hbm>>
    %dma_start3A_128 = tpu.memref_slice %arg3[%add3A_124, %mul3A_32] : memref<320000x128xf32, #tpu.memory_space<hbm>> -> memref<500x8xf32, #tpu.memory_space<hbm>>
    tpu.enqueue_dma source(%dma_start3A_128 : memref<500x8xf32, #tpu.memory_space<hbm>>) target(%arg14 : memref<500x8xf32, #tpu.memory_space<vmem>>) target_semaphore(%arg22 : memref<!tpu.dma_semaphore, #tpu.memory_space<semaphore_mem>>)
    %scan3A_129 = arith.constant 0 : i32
    %scan3A_130 = arith.constant 0 : i32
    %scan3A_131 = arith.constant 80 : i32
    %scan3A_132 = arith.addi %scan3A_130, %scan3A_131 : i32
    %scan3A_133 = arith.constant 1 : i32
    %scan3A_134 = scf.for %scan3A_144 = %scan3A_130 to %scan3A_132 step %scan3A_133 iter_args(%scan3A_145 = %scan3A_129) -> (i32)  : i32 {
      %mul3A_146 = arith.constant 4 : i32
      %mul3A_147 = arith.muli %scan3A_144, %mul3A_146 : i32
      %dma_wait3A = arith.constant 0 : i32
      %dma_wait3A_148 = tpu.memref_slice %arg2[%dma_wait3A, %mul3A_32] : memref<320000x128xi32, #tpu.memory_space<hbm>> -> memref<500x8xi32, #tpu.memory_space<hbm>>
      %dma_wait3A_149 = arith.constant 0 : i32
      %dma_wait3A_150 = tpu.memref_slice %arg2[%dma_wait3A_149, %mul3A_32] : memref<320000x128xi32, #tpu.memory_space<hbm>> -> memref<500x8xi32, #tpu.memory_space<hbm>>
      tpu.wait_dma2 semaphore(%arg15 : memref<!tpu.dma_semaphore, #tpu.memory_space<semaphore_mem>>) src(%dma_wait3A_150 : memref<500x8xi32, #tpu.memory_space<hbm>>) dst(%arg7 : memref<500x8xi32, #tpu.memory_space<vmem>>)
      %dma_wait3A_151 = arith.constant 0 : i32
      %dma_wait3A_152 = tpu.memref_slice %arg3[%dma_wait3A_151, %mul3A_32] : memref<320000x128xf32, #tpu.memory_space<hbm>> -> memref<500x8xf32, #tpu.memory_space<hbm>>
      %dma_wait3A_153 = arith.constant 0 : i32
      %dma_wait3A_154 = tpu.memref_slice %arg3[%dma_wait3A_153, %mul3A_32] : memref<320000x128xf32, #tpu.memory_space<hbm>> -> memref<500x8xf32, #tpu.memory_space<hbm>>
      tpu.wait_dma2 semaphore(%arg19 : memref<!tpu.dma_semaphore, #tpu.memory_space<semaphore_mem>>) src(%dma_wait3A_154 : memref<500x8xf32, #tpu.memory_space<hbm>>) dst(%arg11 : memref<500x8xf32, #tpu.memory_space<vmem>>)
      %parallel_loop3A = arith.constant 0 : i32
      %parallel_loop3A_155 = arith.constant 250 : i32
      %parallel_loop3A_156 = arith.constant 1 : i32
      scf.for %parallel_loop3A_227 = %parallel_loop3A to %parallel_loop3A_155 step %parallel_loop3A_156  : i32 {
        %parallel_loop3A_228 = arith.constant 2 : i32
        %parallel_loop3A_229 = arith.muli %parallel_loop3A_227, %parallel_loop3A_228 : i32
        %parallel_loop3A_230 = vector.broadcast %parallel_loop3A_229 : i32 to vector<16xi32>
        %parallel_loop3A_231 = arith.addi %select_n3A_94, %parallel_loop3A_230 : vector<16xi32>
        %parallel_loop3A_232 = tpu.vector_load_idx %arg7[%parallel_loop3A_231, %select_n3A_63] : memref<500x8xi32, #tpu.memory_space<vmem>>[vector<16xi32>, vector<16xi32>], vector<16xi32>,
        %parallel_loop3A_233 = tpu.vector_load_idx %arg11[%parallel_loop3A_231, %select_n3A_63] : memref<500x8xf32, #tpu.memory_space<vmem>>[vector<16xi32>, vector<16xi32>], vector<16xf32>,
        %parallel_loop3A_234 = arith.addi %parallel_loop3A_232, %mul3A_97 : vector<16xi32>
        tpu.vector_store_idx %arg6[%parallel_loop3A_234], %parallel_loop3A_233 {add = true} : memref<80000xf32, #tpu.memory_space<vmem>>[vector<16xi32>], vector<16xf32>,
      } {sc.loop_unroll_factor = 8 : i64, sc.parallel_access}
      %add3A_157 = arith.constant 0 : i32
      %add3A_158 = arith.addi %mul3A_147, %add3A_157 : i32
      %add3A_159 = arith.constant 4 : i32
      %add3A_160 = arith.addi %add3A_158, %add3A_159 : i32
      %lt3A_161 = arith.constant 320 : i32
      %lt3A_162 = arith.cmpi slt, %add3A_160, %lt3A_161 : i32
      %convert_element_type3A_163 = arith.extui %lt3A_162 : i1 to i32
      %cond3A_164 = arith.constant 0 : i32
      %cond3A_165 = arith.cmpi ne, %convert_element_type3A_163, %cond3A_164 : i32
      scf.if %cond3A_165 {
        %add3A_227 = arith.constant 0 : i32
        %add3A_228 = arith.addi %mul3A_147, %add3A_227 : i32
        %add3A_229 = arith.constant 4 : i32
        %add3A_230 = arith.addi %add3A_228, %add3A_229 : i32
        %mul3A_231 = arith.constant 500 : i32
        %mul3A_232 = arith.muli %add3A_230, %mul3A_231 : i32
        %add3A_233 = arith.addi %mul3A_34, %mul3A_232 : i32
        %dma_start3A_234 = tpu.memref_slice %arg2[%add3A_233, %mul3A_32] : memref<320000x128xi32, #tpu.memory_space<hbm>> -> memref<500x8xi32, #tpu.memory_space<hbm>>
        %dma_start3A_235 = tpu.memref_slice %arg2[%add3A_233, %mul3A_32] : memref<320000x128xi32, #tpu.memory_space<hbm>> -> memref<500x8xi32, #tpu.memory_space<hbm>>
        tpu.enqueue_dma source(%dma_start3A_235 : memref<500x8xi32, #tpu.memory_space<hbm>>) target(%arg7 : memref<500x8xi32, #tpu.memory_space<vmem>>) target_semaphore(%arg15 : memref<!tpu.dma_semaphore, #tpu.memory_space<semaphore_mem>>)
        %dma_start3A_236 = tpu.memref_slice %arg3[%add3A_233, %mul3A_32] : memref<320000x128xf32, #tpu.memory_space<hbm>> -> memref<500x8xf32, #tpu.memory_space<hbm>>
        %dma_start3A_237 = tpu.memref_slice %arg3[%add3A_233, %mul3A_32] : memref<320000x128xf32, #tpu.memory_space<hbm>> -> memref<500x8xf32, #tpu.memory_space<hbm>>
        tpu.enqueue_dma source(%dma_start3A_237 : memref<500x8xf32, #tpu.memory_space<hbm>>) target(%arg11 : memref<500x8xf32, #tpu.memory_space<vmem>>) target_semaphore(%arg19 : memref<!tpu.dma_semaphore, #tpu.memory_space<semaphore_mem>>)
      } else {
      }
      %dma_wait3A_166 = arith.constant 0 : i32
      %dma_wait3A_167 = tpu.memref_slice %arg2[%dma_wait3A_166, %mul3A_32] : memref<320000x128xi32, #tpu.memory_space<hbm>> -> memref<500x8xi32, #tpu.memory_space<hbm>>
      %dma_wait3A_168 = arith.constant 0 : i32
      %dma_wait3A_169 = tpu.memref_slice %arg2[%dma_wait3A_168, %mul3A_32] : memref<320000x128xi32, #tpu.memory_space<hbm>> -> memref<500x8xi32, #tpu.memory_space<hbm>>
      tpu.wait_dma2 semaphore(%arg16 : memref<!tpu.dma_semaphore, #tpu.memory_space<semaphore_mem>>) src(%dma_wait3A_169 : memref<500x8xi32, #tpu.memory_space<hbm>>) dst(%arg8 : memref<500x8xi32, #tpu.memory_space<vmem>>)
      %dma_wait3A_170 = arith.constant 0 : i32
      %dma_wait3A_171 = tpu.memref_slice %arg3[%dma_wait3A_170, %mul3A_32] : memref<320000x128xf32, #tpu.memory_space<hbm>> -> memref<500x8xf32, #tpu.memory_space<hbm>>
      %dma_wait3A_172 = arith.constant 0 : i32
      %dma_wait3A_173 = tpu.memref_slice %arg3[%dma_wait3A_172, %mul3A_32] : memref<320000x128xf32, #tpu.memory_space<hbm>> -> memref<500x8xf32, #tpu.memory_space<hbm>>
      tpu.wait_dma2 semaphore(%arg20 : memref<!tpu.dma_semaphore, #tpu.memory_space<semaphore_mem>>) src(%dma_wait3A_173 : memref<500x8xf32, #tpu.memory_space<hbm>>) dst(%arg12 : memref<500x8xf32, #tpu.memory_space<vmem>>)
      %parallel_loop3A_174 = arith.constant 0 : i32
      %parallel_loop3A_175 = arith.constant 250 : i32
      %parallel_loop3A_176 = arith.constant 1 : i32
      scf.for %parallel_loop3A_227 = %parallel_loop3A_174 to %parallel_loop3A_175 step %parallel_loop3A_176  : i32 {
        %parallel_loop3A_228 = arith.constant 2 : i32
        %parallel_loop3A_229 = arith.muli %parallel_loop3A_227, %parallel_loop3A_228 : i32
        %parallel_loop3A_230 = vector.broadcast %parallel_loop3A_229 : i32 to vector<16xi32>
        %parallel_loop3A_231 = arith.addi %select_n3A_94, %parallel_loop3A_230 : vector<16xi32>
        %parallel_loop3A_232 = tpu.vector_load_idx %arg8[%parallel_loop3A_231, %select_n3A_63] : memref<500x8xi32, #tpu.memory_space<vmem>>[vector<16xi32>, vector<16xi32>], vector<16xi32>,
        %parallel_loop3A_233 = tpu.vector_load_idx %arg12[%parallel_loop3A_231, %select_n3A_63] : memref<500x8xf32, #tpu.memory_space<vmem>>[vector<16xi32>, vector<16xi32>], vector<16xf32>,
        %parallel_loop3A_234 = arith.addi %parallel_loop3A_232, %mul3A_97 : vector<16xi32>
        tpu.vector_store_idx %arg6[%parallel_loop3A_234], %parallel_loop3A_233 {add = true} : memref<80000xf32, #tpu.memory_space<vmem>>[vector<16xi32>], vector<16xf32>,
      } {sc.loop_unroll_factor = 8 : i64, sc.parallel_access}
      %add3A_177 = arith.constant 1 : i32
      %add3A_178 = arith.addi %mul3A_147, %add3A_177 : i32
      %add3A_179 = arith.constant 4 : i32
      %add3A_180 = arith.addi %add3A_178, %add3A_179 : i32
      %lt3A_181 = arith.constant 320 : i32
      %lt3A_182 = arith.cmpi slt, %add3A_180, %lt3A_181 : i32
      %convert_element_type3A_183 = arith.extui %lt3A_182 : i1 to i32
      %cond3A_184 = arith.constant 0 : i32
      %cond3A_185 = arith.cmpi ne, %convert_element_type3A_183, %cond3A_184 : i32
      scf.if %cond3A_185 {
        %add3A_227 = arith.constant 1 : i32
        %add3A_228 = arith.addi %mul3A_147, %add3A_227 : i32
        %add3A_229 = arith.constant 4 : i32
        %add3A_230 = arith.addi %add3A_228, %add3A_229 : i32
        %mul3A_231 = arith.constant 500 : i32
        %mul3A_232 = arith.muli %add3A_230, %mul3A_231 : i32
        %add3A_233 = arith.addi %mul3A_34, %mul3A_232 : i32
        %dma_start3A_234 = tpu.memref_slice %arg2[%add3A_233, %mul3A_32] : memref<320000x128xi32, #tpu.memory_space<hbm>> -> memref<500x8xi32, #tpu.memory_space<hbm>>
        %dma_start3A_235 = tpu.memref_slice %arg2[%add3A_233, %mul3A_32] : memref<320000x128xi32, #tpu.memory_space<hbm>> -> memref<500x8xi32, #tpu.memory_space<hbm>>
        tpu.enqueue_dma source(%dma_start3A_235 : memref<500x8xi32, #tpu.memory_space<hbm>>) target(%arg8 : memref<500x8xi32, #tpu.memory_space<vmem>>) target_semaphore(%arg16 : memref<!tpu.dma_semaphore, #tpu.memory_space<semaphore_mem>>)
        %dma_start3A_236 = tpu.memref_slice %arg3[%add3A_233, %mul3A_32] : memref<320000x128xf32, #tpu.memory_space<hbm>> -> memref<500x8xf32, #tpu.memory_space<hbm>>
        %dma_start3A_237 = tpu.memref_slice %arg3[%add3A_233, %mul3A_32] : memref<320000x128xf32, #tpu.memory_space<hbm>> -> memref<500x8xf32, #tpu.memory_space<hbm>>
        tpu.enqueue_dma source(%dma_start3A_237 : memref<500x8xf32, #tpu.memory_space<hbm>>) target(%arg12 : memref<500x8xf32, #tpu.memory_space<vmem>>) target_semaphore(%arg20 : memref<!tpu.dma_semaphore, #tpu.memory_space<semaphore_mem>>)
      } else {
      }
      %dma_wait3A_186 = arith.constant 0 : i32
      %dma_wait3A_187 = tpu.memref_slice %arg2[%dma_wait3A_186, %mul3A_32] : memref<320000x128xi32, #tpu.memory_space<hbm>> -> memref<500x8xi32, #tpu.memory_space<hbm>>
      %dma_wait3A_188 = arith.constant 0 : i32
      %dma_wait3A_189 = tpu.memref_slice %arg2[%dma_wait3A_188, %mul3A_32] : memref<320000x128xi32, #tpu.memory_space<hbm>> -> memref<500x8xi32, #tpu.memory_space<hbm>>
      tpu.wait_dma2 semaphore(%arg17 : memref<!tpu.dma_semaphore, #tpu.memory_space<semaphore_mem>>) src(%dma_wait3A_189 : memref<500x8xi32, #tpu.memory_space<hbm>>) dst(%arg9 : memref<500x8xi32, #tpu.memory_space<vmem>>)
      %dma_wait3A_190 = arith.constant 0 : i32
      %dma_wait3A_191 = tpu.memref_slice %arg3[%dma_wait3A_190, %mul3A_32] : memref<320000x128xf32, #tpu.memory_space<hbm>> -> memref<500x8xf32, #tpu.memory_space<hbm>>
      %dma_wait3A_192 = arith.constant 0 : i32
      %dma_wait3A_193 = tpu.memref_slice %arg3[%dma_wait3A_192, %mul3A_32] : memref<320000x128xf32, #tpu.memory_space<hbm>> -> memref<500x8xf32, #tpu.memory_space<hbm>>
      tpu.wait_dma2 semaphore(%arg21 : memref<!tpu.dma_semaphore, #tpu.memory_space<semaphore_mem>>) src(%dma_wait3A_193 : memref<500x8xf32, #tpu.memory_space<hbm>>) dst(%arg13 : memref<500x8xf32, #tpu.memory_space<vmem>>)
      %parallel_loop3A_194 = arith.constant 0 : i32
      %parallel_loop3A_195 = arith.constant 250 : i32
      %parallel_loop3A_196 = arith.constant 1 : i32
      scf.for %parallel_loop3A_227 = %parallel_loop3A_194 to %parallel_loop3A_195 step %parallel_loop3A_196  : i32 {
        %parallel_loop3A_228 = arith.constant 2 : i32
        %parallel_loop3A_229 = arith.muli %parallel_loop3A_227, %parallel_loop3A_228 : i32
        %parallel_loop3A_230 = vector.broadcast %parallel_loop3A_229 : i32 to vector<16xi32>
        %parallel_loop3A_231 = arith.addi %select_n3A_94, %parallel_loop3A_230 : vector<16xi32>
        %parallel_loop3A_232 = tpu.vector_load_idx %arg9[%parallel_loop3A_231, %select_n3A_63] : memref<500x8xi32, #tpu.memory_space<vmem>>[vector<16xi32>, vector<16xi32>], vector<16xi32>,
        %parallel_loop3A_233 = tpu.vector_load_idx %arg13[%parallel_loop3A_231, %select_n3A_63] : memref<500x8xf32, #tpu.memory_space<vmem>>[vector<16xi32>, vector<16xi32>], vector<16xf32>,
        %parallel_loop3A_234 = arith.addi %parallel_loop3A_232, %mul3A_97 : vector<16xi32>
        tpu.vector_store_idx %arg6[%parallel_loop3A_234], %parallel_loop3A_233 {add = true} : memref<80000xf32, #tpu.memory_space<vmem>>[vector<16xi32>], vector<16xf32>,
      } {sc.loop_unroll_factor = 8 : i64, sc.parallel_access}
      %add3A_197 = arith.constant 2 : i32
      %add3A_198 = arith.addi %mul3A_147, %add3A_197 : i32
      %add3A_199 = arith.constant 4 : i32
      %add3A_200 = arith.addi %add3A_198, %add3A_199 : i32
      %lt3A_201 = arith.constant 320 : i32
      %lt3A_202 = arith.cmpi slt, %add3A_200, %lt3A_201 : i32
      %convert_element_type3A_203 = arith.extui %lt3A_202 : i1 to i32
      %cond3A_204 = arith.constant 0 : i32
      %cond3A_205 = arith.cmpi ne, %convert_element_type3A_203, %cond3A_204 : i32
      scf.if %cond3A_205 {
        %add3A_227 = arith.constant 2 : i32
        %add3A_228 = arith.addi %mul3A_147, %add3A_227 : i32
        %add3A_229 = arith.constant 4 : i32
        %add3A_230 = arith.addi %add3A_228, %add3A_229 : i32
        %mul3A_231 = arith.constant 500 : i32
        %mul3A_232 = arith.muli %add3A_230, %mul3A_231 : i32
        %add3A_233 = arith.addi %mul3A_34, %mul3A_232 : i32
        %dma_start3A_234 = tpu.memref_slice %arg2[%add3A_233, %mul3A_32] : memref<320000x128xi32, #tpu.memory_space<hbm>> -> memref<500x8xi32, #tpu.memory_space<hbm>>
        %dma_start3A_235 = tpu.memref_slice %arg2[%add3A_233, %mul3A_32] : memref<320000x128xi32, #tpu.memory_space<hbm>> -> memref<500x8xi32, #tpu.memory_space<hbm>>
        tpu.enqueue_dma source(%dma_start3A_235 : memref<500x8xi32, #tpu.memory_space<hbm>>) target(%arg9 : memref<500x8xi32, #tpu.memory_space<vmem>>) target_semaphore(%arg17 : memref<!tpu.dma_semaphore, #tpu.memory_space<semaphore_mem>>)
        %dma_start3A_236 = tpu.memref_slice %arg3[%add3A_233, %mul3A_32] : memref<320000x128xf32, #tpu.memory_space<hbm>> -> memref<500x8xf32, #tpu.memory_space<hbm>>
        %dma_start3A_237 = tpu.memref_slice %arg3[%add3A_233, %mul3A_32] : memref<320000x128xf32, #tpu.memory_space<hbm>> -> memref<500x8xf32, #tpu.memory_space<hbm>>
        tpu.enqueue_dma source(%dma_start3A_237 : memref<500x8xf32, #tpu.memory_space<hbm>>) target(%arg13 : memref<500x8xf32, #tpu.memory_space<vmem>>) target_semaphore(%arg21 : memref<!tpu.dma_semaphore, #tpu.memory_space<semaphore_mem>>)
      } else {
      }
      %dma_wait3A_206 = arith.constant 0 : i32
      %dma_wait3A_207 = tpu.memref_slice %arg2[%dma_wait3A_206, %mul3A_32] : memref<320000x128xi32, #tpu.memory_space<hbm>> -> memref<500x8xi32, #tpu.memory_space<hbm>>
      %dma_wait3A_208 = arith.constant 0 : i32
      %dma_wait3A_209 = tpu.memref_slice %arg2[%dma_wait3A_208, %mul3A_32] : memref<320000x128xi32, #tpu.memory_space<hbm>> -> memref<500x8xi32, #tpu.memory_space<hbm>>
      tpu.wait_dma2 semaphore(%arg18 : memref<!tpu.dma_semaphore, #tpu.memory_space<semaphore_mem>>) src(%dma_wait3A_209 : memref<500x8xi32, #tpu.memory_space<hbm>>) dst(%arg10 : memref<500x8xi32, #tpu.memory_space<vmem>>)
      %dma_wait3A_210 = arith.constant 0 : i32
      %dma_wait3A_211 = tpu.memref_slice %arg3[%dma_wait3A_210, %mul3A_32] : memref<320000x128xf32, #tpu.memory_space<hbm>> -> memref<500x8xf32, #tpu.memory_space<hbm>>
      %dma_wait3A_212 = arith.constant 0 : i32
      %dma_wait3A_213 = tpu.memref_slice %arg3[%dma_wait3A_212, %mul3A_32] : memref<320000x128xf32, #tpu.memory_space<hbm>> -> memref<500x8xf32, #tpu.memory_space<hbm>>
      tpu.wait_dma2 semaphore(%arg22 : memref<!tpu.dma_semaphore, #tpu.memory_space<semaphore_mem>>) src(%dma_wait3A_213 : memref<500x8xf32, #tpu.memory_space<hbm>>) dst(%arg14 : memref<500x8xf32, #tpu.memory_space<vmem>>)
      %parallel_loop3A_214 = arith.constant 0 : i32
      %parallel_loop3A_215 = arith.constant 250 : i32
      %parallel_loop3A_216 = arith.constant 1 : i32
      scf.for %parallel_loop3A_227 = %parallel_loop3A_214 to %parallel_loop3A_215 step %parallel_loop3A_216  : i32 {
        %parallel_loop3A_228 = arith.constant 2 : i32
        %parallel_loop3A_229 = arith.muli %parallel_loop3A_227, %parallel_loop3A_228 : i32
        %parallel_loop3A_230 = vector.broadcast %parallel_loop3A_229 : i32 to vector<16xi32>
        %parallel_loop3A_231 = arith.addi %select_n3A_94, %parallel_loop3A_230 : vector<16xi32>
        %parallel_loop3A_232 = tpu.vector_load_idx %arg10[%parallel_loop3A_231, %select_n3A_63] : memref<500x8xi32, #tpu.memory_space<vmem>>[vector<16xi32>, vector<16xi32>], vector<16xi32>,
        %parallel_loop3A_233 = tpu.vector_load_idx %arg14[%parallel_loop3A_231, %select_n3A_63] : memref<500x8xf32, #tpu.memory_space<vmem>>[vector<16xi32>, vector<16xi32>], vector<16xf32>,
        %parallel_loop3A_234 = arith.addi %parallel_loop3A_232, %mul3A_97 : vector<16xi32>
        tpu.vector_store_idx %arg6[%parallel_loop3A_234], %parallel_loop3A_233 {add = true} : memref<80000xf32, #tpu.memory_space<vmem>>[vector<16xi32>], vector<16xf32>,
      } {sc.loop_unroll_factor = 8 : i64, sc.parallel_access}
      %add3A_217 = arith.constant 3 : i32
      %add3A_218 = arith.addi %mul3A_147, %add3A_217 : i32
      %add3A_219 = arith.constant 4 : i32
      %add3A_220 = arith.addi %add3A_218, %add3A_219 : i32
      %lt3A_221 = arith.constant 320 : i32
      %lt3A_222 = arith.cmpi slt, %add3A_220, %lt3A_221 : i32
      %convert_element_type3A_223 = arith.extui %lt3A_222 : i1 to i32
      %cond3A_224 = arith.constant 0 : i32
      %cond3A_225 = arith.cmpi ne, %convert_element_type3A_223, %cond3A_224 : i32
      scf.if %cond3A_225 {
        %add3A_227 = arith.constant 3 : i32
        %add3A_228 = arith.addi %mul3A_147, %add3A_227 : i32
        %add3A_229 = arith.constant 4 : i32
        %add3A_230 = arith.addi %add3A_228, %add3A_229 : i32
        %mul3A_231 = arith.constant 500 : i32
        %mul3A_232 = arith.muli %add3A_230, %mul3A_231 : i32
        %add3A_233 = arith.addi %mul3A_34, %mul3A_232 : i32
        %dma_start3A_234 = tpu.memref_slice %arg2[%add3A_233, %mul3A_32] : memref<320000x128xi32, #tpu.memory_space<hbm>> -> memref<500x8xi32, #tpu.memory_space<hbm>>
        %dma_start3A_235 = tpu.memref_slice %arg2[%add3A_233, %mul3A_32] : memref<320000x128xi32, #tpu.memory_space<hbm>> -> memref<500x8xi32, #tpu.memory_space<hbm>>
        tpu.enqueue_dma source(%dma_start3A_235 : memref<500x8xi32, #tpu.memory_space<hbm>>) target(%arg10 : memref<500x8xi32, #tpu.memory_space<vmem>>) target_semaphore(%arg18 : memref<!tpu.dma_semaphore, #tpu.memory_space<semaphore_mem>>)
        %dma_start3A_236 = tpu.memref_slice %arg3[%add3A_233, %mul3A_32] : memref<320000x128xf32, #tpu.memory_space<hbm>> -> memref<500x8xf32, #tpu.memory_space<hbm>>
        %dma_start3A_237 = tpu.memref_slice %arg3[%add3A_233, %mul3A_32] : memref<320000x128xf32, #tpu.memory_space<hbm>> -> memref<500x8xf32, #tpu.memory_space<hbm>>
        tpu.enqueue_dma source(%dma_start3A_237 : memref<500x8xf32, #tpu.memory_space<hbm>>) target(%arg14 : memref<500x8xf32, #tpu.memory_space<vmem>>) target_semaphore(%arg22 : memref<!tpu.dma_semaphore, #tpu.memory_space<semaphore_mem>>)
      } else {
      }
      %scan3A_226 = arith.constant 0 : i32
      scf.yield %scan3A_226 : i32
    }
    %scan3A_135 = arith.constant 80 : i32
    %eq3A_136 = arith.constant 0 : i32
    %eq3A_137 = arith.cmpi eq, %select_n3A_28, %eq3A_136 : i32
    %convert_element_type3A = arith.extui %eq3A_137 : i1 to i32
    %cond3A = arith.constant 0 : i32
    %cond3A_138 = arith.cmpi ne, %convert_element_type3A, %cond3A : i32
    scf.if %cond3A_138 {
      %add3A_144 = arith.constant 0 : i32
      %add3A_145 = arith.addi %mul3A_32, %add3A_144 : i32
      "tpu.region"() ({
        %run_scoped3A = tpu.sem_alloc : memref<!tpu.dma_semaphore, #tpu.memory_space<semaphore_mem>>
        %dma_start3A_160 = arith.constant 0 : i32
        %dma_start3A_161 = tpu.memref_slice %arg6[%dma_start3A_160] : memref<80000xf32, #tpu.memory_space<vmem>> -> memref<10000xf32, #tpu.memory_space<vmem>>
        %dma_start3A_162 = arith.constant 0 : i32
        %dma_start3A_163 = tpu.memref_slice %arg4[%add3A_145, %dma_start3A_162] : memref<128x10000xf32, #tpu.memory_space<hbm>> -> memref<1x10000xf32, #tpu.memory_space<hbm>>
        %dma_start3A_164 = tpu.memref_squeeze %dma_start3A_163 : memref<1x10000xf32, #tpu.memory_space<hbm>> -> memref<10000xf32, #tpu.memory_space<hbm>>
        %dma_start3A_165 = arith.constant 0 : i32
        %dma_start3A_166 = tpu.memref_slice %arg4[%add3A_145, %dma_start3A_165] : memref<128x10000xf32, #tpu.memory_space<hbm>> -> memref<1x10000xf32, #tpu.memory_space<hbm>>
        %dma_start3A_167 = tpu.memref_squeeze %dma_start3A_166 : memref<1x10000xf32, #tpu.memory_space<hbm>> -> memref<10000xf32, #tpu.memory_space<hbm>>
        %dma_start3A_168 = arith.constant 0 : i32
        %dma_start3A_169 = tpu.memref_slice %arg6[%dma_start3A_168] : memref<80000xf32, #tpu.memory_space<vmem>> -> memref<10000xf32, #tpu.memory_space<vmem>>
        tpu.enqueue_dma source(%dma_start3A_169 : memref<10000xf32, #tpu.memory_space<vmem>>) target(%dma_start3A_167 : memref<10000xf32, #tpu.memory_space<hbm>>) target_semaphore(%run_scoped3A : memref<!tpu.dma_semaphore, #tpu.memory_space<semaphore_mem>>)
        %dma_wait3A = arith.constant 0 : i32
        %dma_wait3A_170 = tpu.memref_slice %arg6[%dma_wait3A] : memref<80000xf32, #tpu.memory_space<vmem>> -> memref<10000xf32, #tpu.memory_space<vmem>>
        %dma_wait3A_171 = arith.constant 0 : i32
        %dma_wait3A_172 = tpu.memref_slice %arg4[%add3A_145, %dma_wait3A_171] : memref<128x10000xf32, #tpu.memory_space<hbm>> -> memref<1x10000xf32, #tpu.memory_space<hbm>>
        %dma_wait3A_173 = tpu.memref_squeeze %dma_wait3A_172 : memref<1x10000xf32, #tpu.memory_space<hbm>> -> memref<10000xf32, #tpu.memory_space<hbm>>
        %dma_wait3A_174 = arith.constant 0 : i32
        %dma_wait3A_175 = tpu.memref_slice %arg4[%add3A_145, %dma_wait3A_174] : memref<128x10000xf32, #tpu.memory_space<hbm>> -> memref<1x10000xf32, #tpu.memory_space<hbm>>
        %dma_wait3A_176 = tpu.memref_squeeze %dma_wait3A_175 : memref<1x10000xf32, #tpu.memory_space<hbm>> -> memref<10000xf32, #tpu.memory_space<hbm>>
        %dma_wait3A_177 = arith.constant 0 : i32
        %dma_wait3A_178 = tpu.memref_slice %arg6[%dma_wait3A_177] : memref<80000xf32, #tpu.memory_space<vmem>> -> memref<10000xf32, #tpu.memory_space<vmem>>
        tpu.wait_dma2 semaphore(%run_scoped3A : memref<!tpu.dma_semaphore, #tpu.memory_space<semaphore_mem>>) src(%dma_wait3A_178 : memref<10000xf32, #tpu.memory_space<vmem>>) dst(%dma_wait3A_176 : memref<10000xf32, #tpu.memory_space<hbm>>)
        tpu.yield
      }) : () -> ()
      %add3A_146 = arith.constant 1 : i32
      %add3A_147 = arith.addi %mul3A_32, %add3A_146 : i32
      "tpu.region"() ({
        %run_scoped3A = tpu.sem_alloc : memref<!tpu.dma_semaphore, #tpu.memory_space<semaphore_mem>>
        %dma_start3A_160 = arith.constant 10000 : i32
        %dma_start3A_161 = tpu.memref_slice %arg6[%dma_start3A_160] : memref<80000xf32, #tpu.memory_space<vmem>> -> memref<10000xf32, #tpu.memory_space<vmem>>
        %dma_start3A_162 = arith.constant 0 : i32
        %dma_start3A_163 = tpu.memref_slice %arg4[%add3A_147, %dma_start3A_162] : memref<128x10000xf32, #tpu.memory_space<hbm>> -> memref<1x10000xf32, #tpu.memory_space<hbm>>
        %dma_start3A_164 = tpu.memref_squeeze %dma_start3A_163 : memref<1x10000xf32, #tpu.memory_space<hbm>> -> memref<10000xf32, #tpu.memory_space<hbm>>
        %dma_start3A_165 = arith.constant 0 : i32
        %dma_start3A_166 = tpu.memref_slice %arg4[%add3A_147, %dma_start3A_165] : memref<128x10000xf32, #tpu.memory_space<hbm>> -> memref<1x10000xf32, #tpu.memory_space<hbm>>
        %dma_start3A_167 = tpu.memref_squeeze %dma_start3A_166 : memref<1x10000xf32, #tpu.memory_space<hbm>> -> memref<10000xf32, #tpu.memory_space<hbm>>
        %dma_start3A_168 = arith.constant 10000 : i32
        %dma_start3A_169 = tpu.memref_slice %arg6[%dma_start3A_168] : memref<80000xf32, #tpu.memory_space<vmem>> -> memref<10000xf32, #tpu.memory_space<vmem>>
        tpu.enqueue_dma source(%dma_start3A_169 : memref<10000xf32, #tpu.memory_space<vmem>>) target(%dma_start3A_167 : memref<10000xf32, #tpu.memory_space<hbm>>) target_semaphore(%run_scoped3A : memref<!tpu.dma_semaphore, #tpu.memory_space<semaphore_mem>>)
        %dma_wait3A = arith.constant 10000 : i32
        %dma_wait3A_170 = tpu.memref_slice %arg6[%dma_wait3A] : memref<80000xf32, #tpu.memory_space<vmem>> -> memref<10000xf32, #tpu.memory_space<vmem>>
        %dma_wait3A_171 = arith.constant 0 : i32
        %dma_wait3A_172 = tpu.memref_slice %arg4[%add3A_147, %dma_wait3A_171] : memref<128x10000xf32, #tpu.memory_space<hbm>> -> memref<1x10000xf32, #tpu.memory_space<hbm>>
        %dma_wait3A_173 = tpu.memref_squeeze %dma_wait3A_172 : memref<1x10000xf32, #tpu.memory_space<hbm>> -> memref<10000xf32, #tpu.memory_space<hbm>>
        %dma_wait3A_174 = arith.constant 0 : i32
        %dma_wait3A_175 = tpu.memref_slice %arg4[%add3A_147, %dma_wait3A_174] : memref<128x10000xf32, #tpu.memory_space<hbm>> -> memref<1x10000xf32, #tpu.memory_space<hbm>>
        %dma_wait3A_176 = tpu.memref_squeeze %dma_wait3A_175 : memref<1x10000xf32, #tpu.memory_space<hbm>> -> memref<10000xf32, #tpu.memory_space<hbm>>
        %dma_wait3A_177 = arith.constant 10000 : i32
        %dma_wait3A_178 = tpu.memref_slice %arg6[%dma_wait3A_177] : memref<80000xf32, #tpu.memory_space<vmem>> -> memref<10000xf32, #tpu.memory_space<vmem>>
        tpu.wait_dma2 semaphore(%run_scoped3A : memref<!tpu.dma_semaphore, #tpu.memory_space<semaphore_mem>>) src(%dma_wait3A_178 : memref<10000xf32, #tpu.memory_space<vmem>>) dst(%dma_wait3A_176 : memref<10000xf32, #tpu.memory_space<hbm>>)
        tpu.yield
      }) : () -> ()
      %add3A_148 = arith.constant 2 : i32
      %add3A_149 = arith.addi %mul3A_32, %add3A_148 : i32
      "tpu.region"() ({
        %run_scoped3A = tpu.sem_alloc : memref<!tpu.dma_semaphore, #tpu.memory_space<semaphore_mem>>
        %dma_start3A_160 = arith.constant 20000 : i32
        %dma_start3A_161 = tpu.memref_slice %arg6[%dma_start3A_160] : memref<80000xf32, #tpu.memory_space<vmem>> -> memref<10000xf32, #tpu.memory_space<vmem>>
        %dma_start3A_162 = arith.constant 0 : i32
        %dma_start3A_163 = tpu.memref_slice %arg4[%add3A_149, %dma_start3A_162] : memref<128x10000xf32, #tpu.memory_space<hbm>> -> memref<1x10000xf32, #tpu.memory_space<hbm>>
        %dma_start3A_164 = tpu.memref_squeeze %dma_start3A_163 : memref<1x10000xf32, #tpu.memory_space<hbm>> -> memref<10000xf32, #tpu.memory_space<hbm>>
        %dma_start3A_165 = arith.constant 0 : i32
        %dma_start3A_166 = tpu.memref_slice %arg4[%add3A_149, %dma_start3A_165] : memref<128x10000xf32, #tpu.memory_space<hbm>> -> memref<1x10000xf32, #tpu.memory_space<hbm>>
        %dma_start3A_167 = tpu.memref_squeeze %dma_start3A_166 : memref<1x10000xf32, #tpu.memory_space<hbm>> -> memref<10000xf32, #tpu.memory_space<hbm>>
        %dma_start3A_168 = arith.constant 20000 : i32
        %dma_start3A_169 = tpu.memref_slice %arg6[%dma_start3A_168] : memref<80000xf32, #tpu.memory_space<vmem>> -> memref<10000xf32, #tpu.memory_space<vmem>>
        tpu.enqueue_dma source(%dma_start3A_169 : memref<10000xf32, #tpu.memory_space<vmem>>) target(%dma_start3A_167 : memref<10000xf32, #tpu.memory_space<hbm>>) target_semaphore(%run_scoped3A : memref<!tpu.dma_semaphore, #tpu.memory_space<semaphore_mem>>)
        %dma_wait3A = arith.constant 20000 : i32
        %dma_wait3A_170 = tpu.memref_slice %arg6[%dma_wait3A] : memref<80000xf32, #tpu.memory_space<vmem>> -> memref<10000xf32, #tpu.memory_space<vmem>>
        %dma_wait3A_171 = arith.constant 0 : i32
        %dma_wait3A_172 = tpu.memref_slice %arg4[%add3A_149, %dma_wait3A_171] : memref<128x10000xf32, #tpu.memory_space<hbm>> -> memref<1x10000xf32, #tpu.memory_space<hbm>>
        %dma_wait3A_173 = tpu.memref_squeeze %dma_wait3A_172 : memref<1x10000xf32, #tpu.memory_space<hbm>> -> memref<10000xf32, #tpu.memory_space<hbm>>
        %dma_wait3A_174 = arith.constant 0 : i32
        %dma_wait3A_175 = tpu.memref_slice %arg4[%add3A_149, %dma_wait3A_174] : memref<128x10000xf32, #tpu.memory_space<hbm>> -> memref<1x10000xf32, #tpu.memory_space<hbm>>
        %dma_wait3A_176 = tpu.memref_squeeze %dma_wait3A_175 : memref<1x10000xf32, #tpu.memory_space<hbm>> -> memref<10000xf32, #tpu.memory_space<hbm>>
        %dma_wait3A_177 = arith.constant 20000 : i32
        %dma_wait3A_178 = tpu.memref_slice %arg6[%dma_wait3A_177] : memref<80000xf32, #tpu.memory_space<vmem>> -> memref<10000xf32, #tpu.memory_space<vmem>>
        tpu.wait_dma2 semaphore(%run_scoped3A : memref<!tpu.dma_semaphore, #tpu.memory_space<semaphore_mem>>) src(%dma_wait3A_178 : memref<10000xf32, #tpu.memory_space<vmem>>) dst(%dma_wait3A_176 : memref<10000xf32, #tpu.memory_space<hbm>>)
        tpu.yield
      }) : () -> ()
      %add3A_150 = arith.constant 3 : i32
      %add3A_151 = arith.addi %mul3A_32, %add3A_150 : i32
      "tpu.region"() ({
        %run_scoped3A = tpu.sem_alloc : memref<!tpu.dma_semaphore, #tpu.memory_space<semaphore_mem>>
        %dma_start3A_160 = arith.constant 30000 : i32
        %dma_start3A_161 = tpu.memref_slice %arg6[%dma_start3A_160] : memref<80000xf32, #tpu.memory_space<vmem>> -> memref<10000xf32, #tpu.memory_space<vmem>>
        %dma_start3A_162 = arith.constant 0 : i32
        %dma_start3A_163 = tpu.memref_slice %arg4[%add3A_151, %dma_start3A_162] : memref<128x10000xf32, #tpu.memory_space<hbm>> -> memref<1x10000xf32, #tpu.memory_space<hbm>>
        %dma_start3A_164 = tpu.memref_squeeze %dma_start3A_163 : memref<1x10000xf32, #tpu.memory_space<hbm>> -> memref<10000xf32, #tpu.memory_space<hbm>>
        %dma_start3A_165 = arith.constant 0 : i32
        %dma_start3A_166 = tpu.memref_slice %arg4[%add3A_151, %dma_start3A_165] : memref<128x10000xf32, #tpu.memory_space<hbm>> -> memref<1x10000xf32, #tpu.memory_space<hbm>>
        %dma_start3A_167 = tpu.memref_squeeze %dma_start3A_166 : memref<1x10000xf32, #tpu.memory_space<hbm>> -> memref<10000xf32, #tpu.memory_space<hbm>>
        %dma_start3A_168 = arith.constant 30000 : i32
        %dma_start3A_169 = tpu.memref_slice %arg6[%dma_start3A_168] : memref<80000xf32, #tpu.memory_space<vmem>> -> memref<10000xf32, #tpu.memory_space<vmem>>
        tpu.enqueue_dma source(%dma_start3A_169 : memref<10000xf32, #tpu.memory_space<vmem>>) target(%dma_start3A_167 : memref<10000xf32, #tpu.memory_space<hbm>>) target_semaphore(%run_scoped3A : memref<!tpu.dma_semaphore, #tpu.memory_space<semaphore_mem>>)
        %dma_wait3A = arith.constant 30000 : i32
        %dma_wait3A_170 = tpu.memref_slice %arg6[%dma_wait3A] : memref<80000xf32, #tpu.memory_space<vmem>> -> memref<10000xf32, #tpu.memory_space<vmem>>
        %dma_wait3A_171 = arith.constant 0 : i32
        %dma_wait3A_172 = tpu.memref_slice %arg4[%add3A_151, %dma_wait3A_171] : memref<128x10000xf32, #tpu.memory_space<hbm>> -> memref<1x10000xf32, #tpu.memory_space<hbm>>
        %dma_wait3A_173 = tpu.memref_squeeze %dma_wait3A_172 : memref<1x10000xf32, #tpu.memory_space<hbm>> -> memref<10000xf32, #tpu.memory_space<hbm>>
        %dma_wait3A_174 = arith.constant 0 : i32
        %dma_wait3A_175 = tpu.memref_slice %arg4[%add3A_151, %dma_wait3A_174] : memref<128x10000xf32, #tpu.memory_space<hbm>> -> memref<1x10000xf32, #tpu.memory_space<hbm>>
        %dma_wait3A_176 = tpu.memref_squeeze %dma_wait3A_175 : memref<1x10000xf32, #tpu.memory_space<hbm>> -> memref<10000xf32, #tpu.memory_space<hbm>>
        %dma_wait3A_177 = arith.constant 30000 : i32
        %dma_wait3A_178 = tpu.memref_slice %arg6[%dma_wait3A_177] : memref<80000xf32, #tpu.memory_space<vmem>> -> memref<10000xf32, #tpu.memory_space<vmem>>
        tpu.wait_dma2 semaphore(%run_scoped3A : memref<!tpu.dma_semaphore, #tpu.memory_space<semaphore_mem>>) src(%dma_wait3A_178 : memref<10000xf32, #tpu.memory_space<vmem>>) dst(%dma_wait3A_176 : memref<10000xf32, #tpu.memory_space<hbm>>)
        tpu.yield
      }) : () -> ()
      %add3A_152 = arith.constant 4 : i32
      %add3A_153 = arith.addi %mul3A_32, %add3A_152 : i32
      "tpu.region"() ({
        %run_scoped3A = tpu.sem_alloc : memref<!tpu.dma_semaphore, #tpu.memory_space<semaphore_mem>>
        %dma_start3A_160 = arith.constant 40000 : i32
        %dma_start3A_161 = tpu.memref_slice %arg6[%dma_start3A_160] : memref<80000xf32, #tpu.memory_space<vmem>> -> memref<10000xf32, #tpu.memory_space<vmem>>
        %dma_start3A_162 = arith.constant 0 : i32
        %dma_start3A_163 = tpu.memref_slice %arg4[%add3A_153, %dma_start3A_162] : memref<128x10000xf32, #tpu.memory_space<hbm>> -> memref<1x10000xf32, #tpu.memory_space<hbm>>
        %dma_start3A_164 = tpu.memref_squeeze %dma_start3A_163 : memref<1x10000xf32, #tpu.memory_space<hbm>> -> memref<10000xf32, #tpu.memory_space<hbm>>
        %dma_start3A_165 = arith.constant 0 : i32
        %dma_start3A_166 = tpu.memref_slice %arg4[%add3A_153, %dma_start3A_165] : memref<128x10000xf32, #tpu.memory_space<hbm>> -> memref<1x10000xf32, #tpu.memory_space<hbm>>
        %dma_start3A_167 = tpu.memref_squeeze %dma_start3A_166 : memref<1x10000xf32, #tpu.memory_space<hbm>> -> memref<10000xf32, #tpu.memory_space<hbm>>
        %dma_start3A_168 = arith.constant 40000 : i32
        %dma_start3A_169 = tpu.memref_slice %arg6[%dma_start3A_168] : memref<80000xf32, #tpu.memory_space<vmem>> -> memref<10000xf32, #tpu.memory_space<vmem>>
        tpu.enqueue_dma source(%dma_start3A_169 : memref<10000xf32, #tpu.memory_space<vmem>>) target(%dma_start3A_167 : memref<10000xf32, #tpu.memory_space<hbm>>) target_semaphore(%run_scoped3A : memref<!tpu.dma_semaphore, #tpu.memory_space<semaphore_mem>>)
        %dma_wait3A = arith.constant 40000 : i32
        %dma_wait3A_170 = tpu.memref_slice %arg6[%dma_wait3A] : memref<80000xf32, #tpu.memory_space<vmem>> -> memref<10000xf32, #tpu.memory_space<vmem>>
        %dma_wait3A_171 = arith.constant 0 : i32
        %dma_wait3A_172 = tpu.memref_slice %arg4[%add3A_153, %dma_wait3A_171] : memref<128x10000xf32, #tpu.memory_space<hbm>> -> memref<1x10000xf32, #tpu.memory_space<hbm>>
        %dma_wait3A_173 = tpu.memref_squeeze %dma_wait3A_172 : memref<1x10000xf32, #tpu.memory_space<hbm>> -> memref<10000xf32, #tpu.memory_space<hbm>>
        %dma_wait3A_174 = arith.constant 0 : i32
        %dma_wait3A_175 = tpu.memref_slice %arg4[%add3A_153, %dma_wait3A_174] : memref<128x10000xf32, #tpu.memory_space<hbm>> -> memref<1x10000xf32, #tpu.memory_space<hbm>>
        %dma_wait3A_176 = tpu.memref_squeeze %dma_wait3A_175 : memref<1x10000xf32, #tpu.memory_space<hbm>> -> memref<10000xf32, #tpu.memory_space<hbm>>
        %dma_wait3A_177 = arith.constant 40000 : i32
        %dma_wait3A_178 = tpu.memref_slice %arg6[%dma_wait3A_177] : memref<80000xf32, #tpu.memory_space<vmem>> -> memref<10000xf32, #tpu.memory_space<vmem>>
        tpu.wait_dma2 semaphore(%run_scoped3A : memref<!tpu.dma_semaphore, #tpu.memory_space<semaphore_mem>>) src(%dma_wait3A_178 : memref<10000xf32, #tpu.memory_space<vmem>>) dst(%dma_wait3A_176 : memref<10000xf32, #tpu.memory_space<hbm>>)
        tpu.yield
      }) : () -> ()
      %add3A_154 = arith.constant 5 : i32
      %add3A_155 = arith.addi %mul3A_32, %add3A_154 : i32
      "tpu.region"() ({
        %run_scoped3A = tpu.sem_alloc : memref<!tpu.dma_semaphore, #tpu.memory_space<semaphore_mem>>
        %dma_start3A_160 = arith.constant 50000 : i32
        %dma_start3A_161 = tpu.memref_slice %arg6[%dma_start3A_160] : memref<80000xf32, #tpu.memory_space<vmem>> -> memref<10000xf32, #tpu.memory_space<vmem>>
        %dma_start3A_162 = arith.constant 0 : i32
        %dma_start3A_163 = tpu.memref_slice %arg4[%add3A_155, %dma_start3A_162] : memref<128x10000xf32, #tpu.memory_space<hbm>> -> memref<1x10000xf32, #tpu.memory_space<hbm>>
        %dma_start3A_164 = tpu.memref_squeeze %dma_start3A_163 : memref<1x10000xf32, #tpu.memory_space<hbm>> -> memref<10000xf32, #tpu.memory_space<hbm>>
        %dma_start3A_165 = arith.constant 0 : i32
        %dma_start3A_166 = tpu.memref_slice %arg4[%add3A_155, %dma_start3A_165] : memref<128x10000xf32, #tpu.memory_space<hbm>> -> memref<1x10000xf32, #tpu.memory_space<hbm>>
        %dma_start3A_167 = tpu.memref_squeeze %dma_start3A_166 : memref<1x10000xf32, #tpu.memory_space<hbm>> -> memref<10000xf32, #tpu.memory_space<hbm>>
        %dma_start3A_168 = arith.constant 50000 : i32
        %dma_start3A_169 = tpu.memref_slice %arg6[%dma_start3A_168] : memref<80000xf32, #tpu.memory_space<vmem>> -> memref<10000xf32, #tpu.memory_space<vmem>>
        tpu.enqueue_dma source(%dma_start3A_169 : memref<10000xf32, #tpu.memory_space<vmem>>) target(%dma_start3A_167 : memref<10000xf32, #tpu.memory_space<hbm>>) target_semaphore(%run_scoped3A : memref<!tpu.dma_semaphore, #tpu.memory_space<semaphore_mem>>)
        %dma_wait3A = arith.constant 50000 : i32
        %dma_wait3A_170 = tpu.memref_slice %arg6[%dma_wait3A] : memref<80000xf32, #tpu.memory_space<vmem>> -> memref<10000xf32, #tpu.memory_space<vmem>>
        %dma_wait3A_171 = arith.constant 0 : i32
        %dma_wait3A_172 = tpu.memref_slice %arg4[%add3A_155, %dma_wait3A_171] : memref<128x10000xf32, #tpu.memory_space<hbm>> -> memref<1x10000xf32, #tpu.memory_space<hbm>>
        %dma_wait3A_173 = tpu.memref_squeeze %dma_wait3A_172 : memref<1x10000xf32, #tpu.memory_space<hbm>> -> memref<10000xf32, #tpu.memory_space<hbm>>
        %dma_wait3A_174 = arith.constant 0 : i32
        %dma_wait3A_175 = tpu.memref_slice %arg4[%add3A_155, %dma_wait3A_174] : memref<128x10000xf32, #tpu.memory_space<hbm>> -> memref<1x10000xf32, #tpu.memory_space<hbm>>
        %dma_wait3A_176 = tpu.memref_squeeze %dma_wait3A_175 : memref<1x10000xf32, #tpu.memory_space<hbm>> -> memref<10000xf32, #tpu.memory_space<hbm>>
        %dma_wait3A_177 = arith.constant 50000 : i32
        %dma_wait3A_178 = tpu.memref_slice %arg6[%dma_wait3A_177] : memref<80000xf32, #tpu.memory_space<vmem>> -> memref<10000xf32, #tpu.memory_space<vmem>>
        tpu.wait_dma2 semaphore(%run_scoped3A : memref<!tpu.dma_semaphore, #tpu.memory_space<semaphore_mem>>) src(%dma_wait3A_178 : memref<10000xf32, #tpu.memory_space<vmem>>) dst(%dma_wait3A_176 : memref<10000xf32, #tpu.memory_space<hbm>>)
        tpu.yield
      }) : () -> ()
      %add3A_156 = arith.constant 6 : i32
      %add3A_157 = arith.addi %mul3A_32, %add3A_156 : i32
      "tpu.region"() ({
        %run_scoped3A = tpu.sem_alloc : memref<!tpu.dma_semaphore, #tpu.memory_space<semaphore_mem>>
        %dma_start3A_160 = arith.constant 60000 : i32
        %dma_start3A_161 = tpu.memref_slice %arg6[%dma_start3A_160] : memref<80000xf32, #tpu.memory_space<vmem>> -> memref<10000xf32, #tpu.memory_space<vmem>>
        %dma_start3A_162 = arith.constant 0 : i32
        %dma_start3A_163 = tpu.memref_slice %arg4[%add3A_157, %dma_start3A_162] : memref<128x10000xf32, #tpu.memory_space<hbm>> -> memref<1x10000xf32, #tpu.memory_space<hbm>>
        %dma_start3A_164 = tpu.memref_squeeze %dma_start3A_163 : memref<1x10000xf32, #tpu.memory_space<hbm>> -> memref<10000xf32, #tpu.memory_space<hbm>>
        %dma_start3A_165 = arith.constant 0 : i32
        %dma_start3A_166 = tpu.memref_slice %arg4[%add3A_157, %dma_start3A_165] : memref<128x10000xf32, #tpu.memory_space<hbm>> -> memref<1x10000xf32, #tpu.memory_space<hbm>>
        %dma_start3A_167 = tpu.memref_squeeze %dma_start3A_166 : memref<1x10000xf32, #tpu.memory_space<hbm>> -> memref<10000xf32, #tpu.memory_space<hbm>>
        %dma_start3A_168 = arith.constant 60000 : i32
        %dma_start3A_169 = tpu.memref_slice %arg6[%dma_start3A_168] : memref<80000xf32, #tpu.memory_space<vmem>> -> memref<10000xf32, #tpu.memory_space<vmem>>
        tpu.enqueue_dma source(%dma_start3A_169 : memref<10000xf32, #tpu.memory_space<vmem>>) target(%dma_start3A_167 : memref<10000xf32, #tpu.memory_space<hbm>>) target_semaphore(%run_scoped3A : memref<!tpu.dma_semaphore, #tpu.memory_space<semaphore_mem>>)
        %dma_wait3A = arith.constant 60000 : i32
        %dma_wait3A_170 = tpu.memref_slice %arg6[%dma_wait3A] : memref<80000xf32, #tpu.memory_space<vmem>> -> memref<10000xf32, #tpu.memory_space<vmem>>
        %dma_wait3A_171 = arith.constant 0 : i32
        %dma_wait3A_172 = tpu.memref_slice %arg4[%add3A_157, %dma_wait3A_171] : memref<128x10000xf32, #tpu.memory_space<hbm>> -> memref<1x10000xf32, #tpu.memory_space<hbm>>
        %dma_wait3A_173 = tpu.memref_squeeze %dma_wait3A_172 : memref<1x10000xf32, #tpu.memory_space<hbm>> -> memref<10000xf32, #tpu.memory_space<hbm>>
        %dma_wait3A_174 = arith.constant 0 : i32
        %dma_wait3A_175 = tpu.memref_slice %arg4[%add3A_157, %dma_wait3A_174] : memref<128x10000xf32, #tpu.memory_space<hbm>> -> memref<1x10000xf32, #tpu.memory_space<hbm>>
        %dma_wait3A_176 = tpu.memref_squeeze %dma_wait3A_175 : memref<1x10000xf32, #tpu.memory_space<hbm>> -> memref<10000xf32, #tpu.memory_space<hbm>>
        %dma_wait3A_177 = arith.constant 60000 : i32
        %dma_wait3A_178 = tpu.memref_slice %arg6[%dma_wait3A_177] : memref<80000xf32, #tpu.memory_space<vmem>> -> memref<10000xf32, #tpu.memory_space<vmem>>
        tpu.wait_dma2 semaphore(%run_scoped3A : memref<!tpu.dma_semaphore, #tpu.memory_space<semaphore_mem>>) src(%dma_wait3A_178 : memref<10000xf32, #tpu.memory_space<vmem>>) dst(%dma_wait3A_176 : memref<10000xf32, #tpu.memory_space<hbm>>)
        tpu.yield
      }) : () -> ()
      %add3A_158 = arith.constant 7 : i32
      %add3A_159 = arith.addi %mul3A_32, %add3A_158 : i32
      "tpu.region"() ({
        %run_scoped3A = tpu.sem_alloc : memref<!tpu.dma_semaphore, #tpu.memory_space<semaphore_mem>>
        %dma_start3A_160 = arith.constant 70000 : i32
        %dma_start3A_161 = tpu.memref_slice %arg6[%dma_start3A_160] : memref<80000xf32, #tpu.memory_space<vmem>> -> memref<10000xf32, #tpu.memory_space<vmem>>
        %dma_start3A_162 = arith.constant 0 : i32
        %dma_start3A_163 = tpu.memref_slice %arg4[%add3A_159, %dma_start3A_162] : memref<128x10000xf32, #tpu.memory_space<hbm>> -> memref<1x10000xf32, #tpu.memory_space<hbm>>
        %dma_start3A_164 = tpu.memref_squeeze %dma_start3A_163 : memref<1x10000xf32, #tpu.memory_space<hbm>> -> memref<10000xf32, #tpu.memory_space<hbm>>
        %dma_start3A_165 = arith.constant 0 : i32
        %dma_start3A_166 = tpu.memref_slice %arg4[%add3A_159, %dma_start3A_165] : memref<128x10000xf32, #tpu.memory_space<hbm>> -> memref<1x10000xf32, #tpu.memory_space<hbm>>
        %dma_start3A_167 = tpu.memref_squeeze %dma_start3A_166 : memref<1x10000xf32, #tpu.memory_space<hbm>> -> memref<10000xf32, #tpu.memory_space<hbm>>
        %dma_start3A_168 = arith.constant 70000 : i32
        %dma_start3A_169 = tpu.memref_slice %arg6[%dma_start3A_168] : memref<80000xf32, #tpu.memory_space<vmem>> -> memref<10000xf32, #tpu.memory_space<vmem>>
        tpu.enqueue_dma source(%dma_start3A_169 : memref<10000xf32, #tpu.memory_space<vmem>>) target(%dma_start3A_167 : memref<10000xf32, #tpu.memory_space<hbm>>) target_semaphore(%run_scoped3A : memref<!tpu.dma_semaphore, #tpu.memory_space<semaphore_mem>>)
        %dma_wait3A = arith.constant 70000 : i32
        %dma_wait3A_170 = tpu.memref_slice %arg6[%dma_wait3A] : memref<80000xf32, #tpu.memory_space<vmem>> -> memref<10000xf32, #tpu.memory_space<vmem>>
        %dma_wait3A_171 = arith.constant 0 : i32
        %dma_wait3A_172 = tpu.memref_slice %arg4[%add3A_159, %dma_wait3A_171] : memref<128x10000xf32, #tpu.memory_space<hbm>> -> memref<1x10000xf32, #tpu.memory_space<hbm>>
        %dma_wait3A_173 = tpu.memref_squeeze %dma_wait3A_172 : memref<1x10000xf32, #tpu.memory_space<hbm>> -> memref<10000xf32, #tpu.memory_space<hbm>>
        %dma_wait3A_174 = arith.constant 0 : i32
        %dma_wait3A_175 = tpu.memref_slice %arg4[%add3A_159, %dma_wait3A_174] : memref<128x10000xf32, #tpu.memory_space<hbm>> -> memref<1x10000xf32, #tpu.memory_space<hbm>>
        %dma_wait3A_176 = tpu.memref_squeeze %dma_wait3A_175 : memref<1x10000xf32, #tpu.memory_space<hbm>> -> memref<10000xf32, #tpu.memory_space<hbm>>
        %dma_wait3A_177 = arith.constant 70000 : i32
        %dma_wait3A_178 = tpu.memref_slice %arg6[%dma_wait3A_177] : memref<80000xf32, #tpu.memory_space<vmem>> -> memref<10000xf32, #tpu.memory_space<vmem>>
        tpu.wait_dma2 semaphore(%run_scoped3A : memref<!tpu.dma_semaphore, #tpu.memory_space<semaphore_mem>>) src(%dma_wait3A_178 : memref<10000xf32, #tpu.memory_space<vmem>>) dst(%dma_wait3A_176 : memref<10000xf32, #tpu.memory_space<hbm>>)
        tpu.yield
      }) : () -> ()
    } else {
    }
    %eq3A_139 = arith.constant 1 : i32
    %eq3A_140 = arith.cmpi eq, %select_n3A_28, %eq3A_139 : i32
    %convert_element_type3A_141 = arith.extui %eq3A_140 : i1 to i32
    %cond3A_142 = arith.constant 0 : i32
    %cond3A_143 = arith.cmpi ne, %convert_element_type3A_141, %cond3A_142 : i32
    scf.if %cond3A_143 {
      %add3A_144 = arith.constant 0 : i32
      %add3A_145 = arith.addi %mul3A_32, %add3A_144 : i32
      "tpu.region"() ({
        %run_scoped3A = tpu.sem_alloc : memref<!tpu.dma_semaphore, #tpu.memory_space<semaphore_mem>>
        %dma_start3A_160 = arith.constant 0 : i32
        %dma_start3A_161 = tpu.memref_slice %arg6[%dma_start3A_160] : memref<80000xf32, #tpu.memory_space<vmem>> -> memref<10000xf32, #tpu.memory_space<vmem>>
        %dma_start3A_162 = arith.constant 0 : i32
        %dma_start3A_163 = tpu.memref_slice %arg5[%add3A_145, %dma_start3A_162] : memref<128x10000xf32, #tpu.memory_space<hbm>> -> memref<1x10000xf32, #tpu.memory_space<hbm>>
        %dma_start3A_164 = tpu.memref_squeeze %dma_start3A_163 : memref<1x10000xf32, #tpu.memory_space<hbm>> -> memref<10000xf32, #tpu.memory_space<hbm>>
        %dma_start3A_165 = arith.constant 0 : i32
        %dma_start3A_166 = tpu.memref_slice %arg5[%add3A_145, %dma_start3A_165] : memref<128x10000xf32, #tpu.memory_space<hbm>> -> memref<1x10000xf32, #tpu.memory_space<hbm>>
        %dma_start3A_167 = tpu.memref_squeeze %dma_start3A_166 : memref<1x10000xf32, #tpu.memory_space<hbm>> -> memref<10000xf32, #tpu.memory_space<hbm>>
        %dma_start3A_168 = arith.constant 0 : i32
        %dma_start3A_169 = tpu.memref_slice %arg6[%dma_start3A_168] : memref<80000xf32, #tpu.memory_space<vmem>> -> memref<10000xf32, #tpu.memory_space<vmem>>
        tpu.enqueue_dma source(%dma_start3A_169 : memref<10000xf32, #tpu.memory_space<vmem>>) target(%dma_start3A_167 : memref<10000xf32, #tpu.memory_space<hbm>>) target_semaphore(%run_scoped3A : memref<!tpu.dma_semaphore, #tpu.memory_space<semaphore_mem>>)
        %dma_wait3A = arith.constant 0 : i32
        %dma_wait3A_170 = tpu.memref_slice %arg6[%dma_wait3A] : memref<80000xf32, #tpu.memory_space<vmem>> -> memref<10000xf32, #tpu.memory_space<vmem>>
        %dma_wait3A_171 = arith.constant 0 : i32
        %dma_wait3A_172 = tpu.memref_slice %arg5[%add3A_145, %dma_wait3A_171] : memref<128x10000xf32, #tpu.memory_space<hbm>> -> memref<1x10000xf32, #tpu.memory_space<hbm>>
        %dma_wait3A_173 = tpu.memref_squeeze %dma_wait3A_172 : memref<1x10000xf32, #tpu.memory_space<hbm>> -> memref<10000xf32, #tpu.memory_space<hbm>>
        %dma_wait3A_174 = arith.constant 0 : i32
        %dma_wait3A_175 = tpu.memref_slice %arg5[%add3A_145, %dma_wait3A_174] : memref<128x10000xf32, #tpu.memory_space<hbm>> -> memref<1x10000xf32, #tpu.memory_space<hbm>>
        %dma_wait3A_176 = tpu.memref_squeeze %dma_wait3A_175 : memref<1x10000xf32, #tpu.memory_space<hbm>> -> memref<10000xf32, #tpu.memory_space<hbm>>
        %dma_wait3A_177 = arith.constant 0 : i32
        %dma_wait3A_178 = tpu.memref_slice %arg6[%dma_wait3A_177] : memref<80000xf32, #tpu.memory_space<vmem>> -> memref<10000xf32, #tpu.memory_space<vmem>>
        tpu.wait_dma2 semaphore(%run_scoped3A : memref<!tpu.dma_semaphore, #tpu.memory_space<semaphore_mem>>) src(%dma_wait3A_178 : memref<10000xf32, #tpu.memory_space<vmem>>) dst(%dma_wait3A_176 : memref<10000xf32, #tpu.memory_space<hbm>>)
        tpu.yield
      }) : () -> ()
      %add3A_146 = arith.constant 1 : i32
      %add3A_147 = arith.addi %mul3A_32, %add3A_146 : i32
      "tpu.region"() ({
        %run_scoped3A = tpu.sem_alloc : memref<!tpu.dma_semaphore, #tpu.memory_space<semaphore_mem>>
        %dma_start3A_160 = arith.constant 10000 : i32
        %dma_start3A_161 = tpu.memref_slice %arg6[%dma_start3A_160] : memref<80000xf32, #tpu.memory_space<vmem>> -> memref<10000xf32, #tpu.memory_space<vmem>>
        %dma_start3A_162 = arith.constant 0 : i32
        %dma_start3A_163 = tpu.memref_slice %arg5[%add3A_147, %dma_start3A_162] : memref<128x10000xf32, #tpu.memory_space<hbm>> -> memref<1x10000xf32, #tpu.memory_space<hbm>>
        %dma_start3A_164 = tpu.memref_squeeze %dma_start3A_163 : memref<1x10000xf32, #tpu.memory_space<hbm>> -> memref<10000xf32, #tpu.memory_space<hbm>>
        %dma_start3A_165 = arith.constant 0 : i32
        %dma_start3A_166 = tpu.memref_slice %arg5[%add3A_147, %dma_start3A_165] : memref<128x10000xf32, #tpu.memory_space<hbm>> -> memref<1x10000xf32, #tpu.memory_space<hbm>>
        %dma_start3A_167 = tpu.memref_squeeze %dma_start3A_166 : memref<1x10000xf32, #tpu.memory_space<hbm>> -> memref<10000xf32, #tpu.memory_space<hbm>>
        %dma_start3A_168 = arith.constant 10000 : i32
        %dma_start3A_169 = tpu.memref_slice %arg6[%dma_start3A_168] : memref<80000xf32, #tpu.memory_space<vmem>> -> memref<10000xf32, #tpu.memory_space<vmem>>
        tpu.enqueue_dma source(%dma_start3A_169 : memref<10000xf32, #tpu.memory_space<vmem>>) target(%dma_start3A_167 : memref<10000xf32, #tpu.memory_space<hbm>>) target_semaphore(%run_scoped3A : memref<!tpu.dma_semaphore, #tpu.memory_space<semaphore_mem>>)
        %dma_wait3A = arith.constant 10000 : i32
        %dma_wait3A_170 = tpu.memref_slice %arg6[%dma_wait3A] : memref<80000xf32, #tpu.memory_space<vmem>> -> memref<10000xf32, #tpu.memory_space<vmem>>
        %dma_wait3A_171 = arith.constant 0 : i32
        %dma_wait3A_172 = tpu.memref_slice %arg5[%add3A_147, %dma_wait3A_171] : memref<128x10000xf32, #tpu.memory_space<hbm>> -> memref<1x10000xf32, #tpu.memory_space<hbm>>
        %dma_wait3A_173 = tpu.memref_squeeze %dma_wait3A_172 : memref<1x10000xf32, #tpu.memory_space<hbm>> -> memref<10000xf32, #tpu.memory_space<hbm>>
        %dma_wait3A_174 = arith.constant 0 : i32
        %dma_wait3A_175 = tpu.memref_slice %arg5[%add3A_147, %dma_wait3A_174] : memref<128x10000xf32, #tpu.memory_space<hbm>> -> memref<1x10000xf32, #tpu.memory_space<hbm>>
        %dma_wait3A_176 = tpu.memref_squeeze %dma_wait3A_175 : memref<1x10000xf32, #tpu.memory_space<hbm>> -> memref<10000xf32, #tpu.memory_space<hbm>>
        %dma_wait3A_177 = arith.constant 10000 : i32
        %dma_wait3A_178 = tpu.memref_slice %arg6[%dma_wait3A_177] : memref<80000xf32, #tpu.memory_space<vmem>> -> memref<10000xf32, #tpu.memory_space<vmem>>
        tpu.wait_dma2 semaphore(%run_scoped3A : memref<!tpu.dma_semaphore, #tpu.memory_space<semaphore_mem>>) src(%dma_wait3A_178 : memref<10000xf32, #tpu.memory_space<vmem>>) dst(%dma_wait3A_176 : memref<10000xf32, #tpu.memory_space<hbm>>)
        tpu.yield
      }) : () -> ()
      %add3A_148 = arith.constant 2 : i32
      %add3A_149 = arith.addi %mul3A_32, %add3A_148 : i32
      "tpu.region"() ({
        %run_scoped3A = tpu.sem_alloc : memref<!tpu.dma_semaphore, #tpu.memory_space<semaphore_mem>>
        %dma_start3A_160 = arith.constant 20000 : i32
        %dma_start3A_161 = tpu.memref_slice %arg6[%dma_start3A_160] : memref<80000xf32, #tpu.memory_space<vmem>> -> memref<10000xf32, #tpu.memory_space<vmem>>
        %dma_start3A_162 = arith.constant 0 : i32
        %dma_start3A_163 = tpu.memref_slice %arg5[%add3A_149, %dma_start3A_162] : memref<128x10000xf32, #tpu.memory_space<hbm>> -> memref<1x10000xf32, #tpu.memory_space<hbm>>
        %dma_start3A_164 = tpu.memref_squeeze %dma_start3A_163 : memref<1x10000xf32, #tpu.memory_space<hbm>> -> memref<10000xf32, #tpu.memory_space<hbm>>
        %dma_start3A_165 = arith.constant 0 : i32
        %dma_start3A_166 = tpu.memref_slice %arg5[%add3A_149, %dma_start3A_165] : memref<128x10000xf32, #tpu.memory_space<hbm>> -> memref<1x10000xf32, #tpu.memory_space<hbm>>
        %dma_start3A_167 = tpu.memref_squeeze %dma_start3A_166 : memref<1x10000xf32, #tpu.memory_space<hbm>> -> memref<10000xf32, #tpu.memory_space<hbm>>
        %dma_start3A_168 = arith.constant 20000 : i32
        %dma_start3A_169 = tpu.memref_slice %arg6[%dma_start3A_168] : memref<80000xf32, #tpu.memory_space<vmem>> -> memref<10000xf32, #tpu.memory_space<vmem>>
        tpu.enqueue_dma source(%dma_start3A_169 : memref<10000xf32, #tpu.memory_space<vmem>>) target(%dma_start3A_167 : memref<10000xf32, #tpu.memory_space<hbm>>) target_semaphore(%run_scoped3A : memref<!tpu.dma_semaphore, #tpu.memory_space<semaphore_mem>>)
        %dma_wait3A = arith.constant 20000 : i32
        %dma_wait3A_170 = tpu.memref_slice %arg6[%dma_wait3A] : memref<80000xf32, #tpu.memory_space<vmem>> -> memref<10000xf32, #tpu.memory_space<vmem>>
        %dma_wait3A_171 = arith.constant 0 : i32
        %dma_wait3A_172 = tpu.memref_slice %arg5[%add3A_149, %dma_wait3A_171] : memref<128x10000xf32, #tpu.memory_space<hbm>> -> memref<1x10000xf32, #tpu.memory_space<hbm>>
        %dma_wait3A_173 = tpu.memref_squeeze %dma_wait3A_172 : memref<1x10000xf32, #tpu.memory_space<hbm>> -> memref<10000xf32, #tpu.memory_space<hbm>>
        %dma_wait3A_174 = arith.constant 0 : i32
        %dma_wait3A_175 = tpu.memref_slice %arg5[%add3A_149, %dma_wait3A_174] : memref<128x10000xf32, #tpu.memory_space<hbm>> -> memref<1x10000xf32, #tpu.memory_space<hbm>>
        %dma_wait3A_176 = tpu.memref_squeeze %dma_wait3A_175 : memref<1x10000xf32, #tpu.memory_space<hbm>> -> memref<10000xf32, #tpu.memory_space<hbm>>
        %dma_wait3A_177 = arith.constant 20000 : i32
        %dma_wait3A_178 = tpu.memref_slice %arg6[%dma_wait3A_177] : memref<80000xf32, #tpu.memory_space<vmem>> -> memref<10000xf32, #tpu.memory_space<vmem>>
        tpu.wait_dma2 semaphore(%run_scoped3A : memref<!tpu.dma_semaphore, #tpu.memory_space<semaphore_mem>>) src(%dma_wait3A_178 : memref<10000xf32, #tpu.memory_space<vmem>>) dst(%dma_wait3A_176 : memref<10000xf32, #tpu.memory_space<hbm>>)
        tpu.yield
      }) : () -> ()
      %add3A_150 = arith.constant 3 : i32
      %add3A_151 = arith.addi %mul3A_32, %add3A_150 : i32
      "tpu.region"() ({
        %run_scoped3A = tpu.sem_alloc : memref<!tpu.dma_semaphore, #tpu.memory_space<semaphore_mem>>
        %dma_start3A_160 = arith.constant 30000 : i32
        %dma_start3A_161 = tpu.memref_slice %arg6[%dma_start3A_160] : memref<80000xf32, #tpu.memory_space<vmem>> -> memref<10000xf32, #tpu.memory_space<vmem>>
        %dma_start3A_162 = arith.constant 0 : i32
        %dma_start3A_163 = tpu.memref_slice %arg5[%add3A_151, %dma_start3A_162] : memref<128x10000xf32, #tpu.memory_space<hbm>> -> memref<1x10000xf32, #tpu.memory_space<hbm>>
        %dma_start3A_164 = tpu.memref_squeeze %dma_start3A_163 : memref<1x10000xf32, #tpu.memory_space<hbm>> -> memref<10000xf32, #tpu.memory_space<hbm>>
        %dma_start3A_165 = arith.constant 0 : i32
        %dma_start3A_166 = tpu.memref_slice %arg5[%add3A_151, %dma_start3A_165] : memref<128x10000xf32, #tpu.memory_space<hbm>> -> memref<1x10000xf32, #tpu.memory_space<hbm>>
        %dma_start3A_167 = tpu.memref_squeeze %dma_start3A_166 : memref<1x10000xf32, #tpu.memory_space<hbm>> -> memref<10000xf32, #tpu.memory_space<hbm>>
        %dma_start3A_168 = arith.constant 30000 : i32
        %dma_start3A_169 = tpu.memref_slice %arg6[%dma_start3A_168] : memref<80000xf32, #tpu.memory_space<vmem>> -> memref<10000xf32, #tpu.memory_space<vmem>>
        tpu.enqueue_dma source(%dma_start3A_169 : memref<10000xf32, #tpu.memory_space<vmem>>) target(%dma_start3A_167 : memref<10000xf32, #tpu.memory_space<hbm>>) target_semaphore(%run_scoped3A : memref<!tpu.dma_semaphore, #tpu.memory_space<semaphore_mem>>)
        %dma_wait3A = arith.constant 30000 : i32
        %dma_wait3A_170 = tpu.memref_slice %arg6[%dma_wait3A] : memref<80000xf32, #tpu.memory_space<vmem>> -> memref<10000xf32, #tpu.memory_space<vmem>>
        %dma_wait3A_171 = arith.constant 0 : i32
        %dma_wait3A_172 = tpu.memref_slice %arg5[%add3A_151, %dma_wait3A_171] : memref<128x10000xf32, #tpu.memory_space<hbm>> -> memref<1x10000xf32, #tpu.memory_space<hbm>>
        %dma_wait3A_173 = tpu.memref_squeeze %dma_wait3A_172 : memref<1x10000xf32, #tpu.memory_space<hbm>> -> memref<10000xf32, #tpu.memory_space<hbm>>
        %dma_wait3A_174 = arith.constant 0 : i32
        %dma_wait3A_175 = tpu.memref_slice %arg5[%add3A_151, %dma_wait3A_174] : memref<128x10000xf32, #tpu.memory_space<hbm>> -> memref<1x10000xf32, #tpu.memory_space<hbm>>
        %dma_wait3A_176 = tpu.memref_squeeze %dma_wait3A_175 : memref<1x10000xf32, #tpu.memory_space<hbm>> -> memref<10000xf32, #tpu.memory_space<hbm>>
        %dma_wait3A_177 = arith.constant 30000 : i32
        %dma_wait3A_178 = tpu.memref_slice %arg6[%dma_wait3A_177] : memref<80000xf32, #tpu.memory_space<vmem>> -> memref<10000xf32, #tpu.memory_space<vmem>>
        tpu.wait_dma2 semaphore(%run_scoped3A : memref<!tpu.dma_semaphore, #tpu.memory_space<semaphore_mem>>) src(%dma_wait3A_178 : memref<10000xf32, #tpu.memory_space<vmem>>) dst(%dma_wait3A_176 : memref<10000xf32, #tpu.memory_space<hbm>>)
        tpu.yield
      }) : () -> ()
      %add3A_152 = arith.constant 4 : i32
      %add3A_153 = arith.addi %mul3A_32, %add3A_152 : i32
      "tpu.region"() ({
        %run_scoped3A = tpu.sem_alloc : memref<!tpu.dma_semaphore, #tpu.memory_space<semaphore_mem>>
        %dma_start3A_160 = arith.constant 40000 : i32
        %dma_start3A_161 = tpu.memref_slice %arg6[%dma_start3A_160] : memref<80000xf32, #tpu.memory_space<vmem>> -> memref<10000xf32, #tpu.memory_space<vmem>>
        %dma_start3A_162 = arith.constant 0 : i32
        %dma_start3A_163 = tpu.memref_slice %arg5[%add3A_153, %dma_start3A_162] : memref<128x10000xf32, #tpu.memory_space<hbm>> -> memref<1x10000xf32, #tpu.memory_space<hbm>>
        %dma_start3A_164 = tpu.memref_squeeze %dma_start3A_163 : memref<1x10000xf32, #tpu.memory_space<hbm>> -> memref<10000xf32, #tpu.memory_space<hbm>>
        %dma_start3A_165 = arith.constant 0 : i32
        %dma_start3A_166 = tpu.memref_slice %arg5[%add3A_153, %dma_start3A_165] : memref<128x10000xf32, #tpu.memory_space<hbm>> -> memref<1x10000xf32, #tpu.memory_space<hbm>>
        %dma_start3A_167 = tpu.memref_squeeze %dma_start3A_166 : memref<1x10000xf32, #tpu.memory_space<hbm>> -> memref<10000xf32, #tpu.memory_space<hbm>>
        %dma_start3A_168 = arith.constant 40000 : i32
        %dma_start3A_169 = tpu.memref_slice %arg6[%dma_start3A_168] : memref<80000xf32, #tpu.memory_space<vmem>> -> memref<10000xf32, #tpu.memory_space<vmem>>
        tpu.enqueue_dma source(%dma_start3A_169 : memref<10000xf32, #tpu.memory_space<vmem>>) target(%dma_start3A_167 : memref<10000xf32, #tpu.memory_space<hbm>>) target_semaphore(%run_scoped3A : memref<!tpu.dma_semaphore, #tpu.memory_space<semaphore_mem>>)
        %dma_wait3A = arith.constant 40000 : i32
        %dma_wait3A_170 = tpu.memref_slice %arg6[%dma_wait3A] : memref<80000xf32, #tpu.memory_space<vmem>> -> memref<10000xf32, #tpu.memory_space<vmem>>
        %dma_wait3A_171 = arith.constant 0 : i32
        %dma_wait3A_172 = tpu.memref_slice %arg5[%add3A_153, %dma_wait3A_171] : memref<128x10000xf32, #tpu.memory_space<hbm>> -> memref<1x10000xf32, #tpu.memory_space<hbm>>
        %dma_wait3A_173 = tpu.memref_squeeze %dma_wait3A_172 : memref<1x10000xf32, #tpu.memory_space<hbm>> -> memref<10000xf32, #tpu.memory_space<hbm>>
        %dma_wait3A_174 = arith.constant 0 : i32
        %dma_wait3A_175 = tpu.memref_slice %arg5[%add3A_153, %dma_wait3A_174] : memref<128x10000xf32, #tpu.memory_space<hbm>> -> memref<1x10000xf32, #tpu.memory_space<hbm>>
        %dma_wait3A_176 = tpu.memref_squeeze %dma_wait3A_175 : memref<1x10000xf32, #tpu.memory_space<hbm>> -> memref<10000xf32, #tpu.memory_space<hbm>>
        %dma_wait3A_177 = arith.constant 40000 : i32
        %dma_wait3A_178 = tpu.memref_slice %arg6[%dma_wait3A_177] : memref<80000xf32, #tpu.memory_space<vmem>> -> memref<10000xf32, #tpu.memory_space<vmem>>
        tpu.wait_dma2 semaphore(%run_scoped3A : memref<!tpu.dma_semaphore, #tpu.memory_space<semaphore_mem>>) src(%dma_wait3A_178 : memref<10000xf32, #tpu.memory_space<vmem>>) dst(%dma_wait3A_176 : memref<10000xf32, #tpu.memory_space<hbm>>)
        tpu.yield
      }) : () -> ()
      %add3A_154 = arith.constant 5 : i32
      %add3A_155 = arith.addi %mul3A_32, %add3A_154 : i32
      "tpu.region"() ({
        %run_scoped3A = tpu.sem_alloc : memref<!tpu.dma_semaphore, #tpu.memory_space<semaphore_mem>>
        %dma_start3A_160 = arith.constant 50000 : i32
        %dma_start3A_161 = tpu.memref_slice %arg6[%dma_start3A_160] : memref<80000xf32, #tpu.memory_space<vmem>> -> memref<10000xf32, #tpu.memory_space<vmem>>
        %dma_start3A_162 = arith.constant 0 : i32
        %dma_start3A_163 = tpu.memref_slice %arg5[%add3A_155, %dma_start3A_162] : memref<128x10000xf32, #tpu.memory_space<hbm>> -> memref<1x10000xf32, #tpu.memory_space<hbm>>
        %dma_start3A_164 = tpu.memref_squeeze %dma_start3A_163 : memref<1x10000xf32, #tpu.memory_space<hbm>> -> memref<10000xf32, #tpu.memory_space<hbm>>
        %dma_start3A_165 = arith.constant 0 : i32
        %dma_start3A_166 = tpu.memref_slice %arg5[%add3A_155, %dma_start3A_165] : memref<128x10000xf32, #tpu.memory_space<hbm>> -> memref<1x10000xf32, #tpu.memory_space<hbm>>
        %dma_start3A_167 = tpu.memref_squeeze %dma_start3A_166 : memref<1x10000xf32, #tpu.memory_space<hbm>> -> memref<10000xf32, #tpu.memory_space<hbm>>
        %dma_start3A_168 = arith.constant 50000 : i32
        %dma_start3A_169 = tpu.memref_slice %arg6[%dma_start3A_168] : memref<80000xf32, #tpu.memory_space<vmem>> -> memref<10000xf32, #tpu.memory_space<vmem>>
        tpu.enqueue_dma source(%dma_start3A_169 : memref<10000xf32, #tpu.memory_space<vmem>>) target(%dma_start3A_167 : memref<10000xf32, #tpu.memory_space<hbm>>) target_semaphore(%run_scoped3A : memref<!tpu.dma_semaphore, #tpu.memory_space<semaphore_mem>>)
        %dma_wait3A = arith.constant 50000 : i32
        %dma_wait3A_170 = tpu.memref_slice %arg6[%dma_wait3A] : memref<80000xf32, #tpu.memory_space<vmem>> -> memref<10000xf32, #tpu.memory_space<vmem>>
        %dma_wait3A_171 = arith.constant 0 : i32
        %dma_wait3A_172 = tpu.memref_slice %arg5[%add3A_155, %dma_wait3A_171] : memref<128x10000xf32, #tpu.memory_space<hbm>> -> memref<1x10000xf32, #tpu.memory_space<hbm>>
        %dma_wait3A_173 = tpu.memref_squeeze %dma_wait3A_172 : memref<1x10000xf32, #tpu.memory_space<hbm>> -> memref<10000xf32, #tpu.memory_space<hbm>>
        %dma_wait3A_174 = arith.constant 0 : i32
        %dma_wait3A_175 = tpu.memref_slice %arg5[%add3A_155, %dma_wait3A_174] : memref<128x10000xf32, #tpu.memory_space<hbm>> -> memref<1x10000xf32, #tpu.memory_space<hbm>>
        %dma_wait3A_176 = tpu.memref_squeeze %dma_wait3A_175 : memref<1x10000xf32, #tpu.memory_space<hbm>> -> memref<10000xf32, #tpu.memory_space<hbm>>
        %dma_wait3A_177 = arith.constant 50000 : i32
        %dma_wait3A_178 = tpu.memref_slice %arg6[%dma_wait3A_177] : memref<80000xf32, #tpu.memory_space<vmem>> -> memref<10000xf32, #tpu.memory_space<vmem>>
        tpu.wait_dma2 semaphore(%run_scoped3A : memref<!tpu.dma_semaphore, #tpu.memory_space<semaphore_mem>>) src(%dma_wait3A_178 : memref<10000xf32, #tpu.memory_space<vmem>>) dst(%dma_wait3A_176 : memref<10000xf32, #tpu.memory_space<hbm>>)
        tpu.yield
      }) : () -> ()
      %add3A_156 = arith.constant 6 : i32
      %add3A_157 = arith.addi %mul3A_32, %add3A_156 : i32
      "tpu.region"() ({
        %run_scoped3A = tpu.sem_alloc : memref<!tpu.dma_semaphore, #tpu.memory_space<semaphore_mem>>
        %dma_start3A_160 = arith.constant 60000 : i32
        %dma_start3A_161 = tpu.memref_slice %arg6[%dma_start3A_160] : memref<80000xf32, #tpu.memory_space<vmem>> -> memref<10000xf32, #tpu.memory_space<vmem>>
        %dma_start3A_162 = arith.constant 0 : i32
        %dma_start3A_163 = tpu.memref_slice %arg5[%add3A_157, %dma_start3A_162] : memref<128x10000xf32, #tpu.memory_space<hbm>> -> memref<1x10000xf32, #tpu.memory_space<hbm>>
        %dma_start3A_164 = tpu.memref_squeeze %dma_start3A_163 : memref<1x10000xf32, #tpu.memory_space<hbm>> -> memref<10000xf32, #tpu.memory_space<hbm>>
        %dma_start3A_165 = arith.constant 0 : i32
        %dma_start3A_166 = tpu.memref_slice %arg5[%add3A_157, %dma_start3A_165] : memref<128x10000xf32, #tpu.memory_space<hbm>> -> memref<1x10000xf32, #tpu.memory_space<hbm>>
        %dma_start3A_167 = tpu.memref_squeeze %dma_start3A_166 : memref<1x10000xf32, #tpu.memory_space<hbm>> -> memref<10000xf32, #tpu.memory_space<hbm>>
        %dma_start3A_168 = arith.constant 60000 : i32
        %dma_start3A_169 = tpu.memref_slice %arg6[%dma_start3A_168] : memref<80000xf32, #tpu.memory_space<vmem>> -> memref<10000xf32, #tpu.memory_space<vmem>>
        tpu.enqueue_dma source(%dma_start3A_169 : memref<10000xf32, #tpu.memory_space<vmem>>) target(%dma_start3A_167 : memref<10000xf32, #tpu.memory_space<hbm>>) target_semaphore(%run_scoped3A : memref<!tpu.dma_semaphore, #tpu.memory_space<semaphore_mem>>)
        %dma_wait3A = arith.constant 60000 : i32
        %dma_wait3A_170 = tpu.memref_slice %arg6[%dma_wait3A] : memref<80000xf32, #tpu.memory_space<vmem>> -> memref<10000xf32, #tpu.memory_space<vmem>>
        %dma_wait3A_171 = arith.constant 0 : i32
        %dma_wait3A_172 = tpu.memref_slice %arg5[%add3A_157, %dma_wait3A_171] : memref<128x10000xf32, #tpu.memory_space<hbm>> -> memref<1x10000xf32, #tpu.memory_space<hbm>>
        %dma_wait3A_173 = tpu.memref_squeeze %dma_wait3A_172 : memref<1x10000xf32, #tpu.memory_space<hbm>> -> memref<10000xf32, #tpu.memory_space<hbm>>
        %dma_wait3A_174 = arith.constant 0 : i32
        %dma_wait3A_175 = tpu.memref_slice %arg5[%add3A_157, %dma_wait3A_174] : memref<128x10000xf32, #tpu.memory_space<hbm>> -> memref<1x10000xf32, #tpu.memory_space<hbm>>
        %dma_wait3A_176 = tpu.memref_squeeze %dma_wait3A_175 : memref<1x10000xf32, #tpu.memory_space<hbm>> -> memref<10000xf32, #tpu.memory_space<hbm>>
        %dma_wait3A_177 = arith.constant 60000 : i32
        %dma_wait3A_178 = tpu.memref_slice %arg6[%dma_wait3A_177] : memref<80000xf32, #tpu.memory_space<vmem>> -> memref<10000xf32, #tpu.memory_space<vmem>>
        tpu.wait_dma2 semaphore(%run_scoped3A : memref<!tpu.dma_semaphore, #tpu.memory_space<semaphore_mem>>) src(%dma_wait3A_178 : memref<10000xf32, #tpu.memory_space<vmem>>) dst(%dma_wait3A_176 : memref<10000xf32, #tpu.memory_space<hbm>>)
        tpu.yield
      }) : () -> ()
      %add3A_158 = arith.constant 7 : i32
      %add3A_159 = arith.addi %mul3A_32, %add3A_158 : i32
      "tpu.region"() ({
        %run_scoped3A = tpu.sem_alloc : memref<!tpu.dma_semaphore, #tpu.memory_space<semaphore_mem>>
        %dma_start3A_160 = arith.constant 70000 : i32
        %dma_start3A_161 = tpu.memref_slice %arg6[%dma_start3A_160] : memref<80000xf32, #tpu.memory_space<vmem>> -> memref<10000xf32, #tpu.memory_space<vmem>>
        %dma_start3A_162 = arith.constant 0 : i32
        %dma_start3A_163 = tpu.memref_slice %arg5[%add3A_159, %dma_start3A_162] : memref<128x10000xf32, #tpu.memory_space<hbm>> -> memref<1x10000xf32, #tpu.memory_space<hbm>>
        %dma_start3A_164 = tpu.memref_squeeze %dma_start3A_163 : memref<1x10000xf32, #tpu.memory_space<hbm>> -> memref<10000xf32, #tpu.memory_space<hbm>>
        %dma_start3A_165 = arith.constant 0 : i32
        %dma_start3A_166 = tpu.memref_slice %arg5[%add3A_159, %dma_start3A_165] : memref<128x10000xf32, #tpu.memory_space<hbm>> -> memref<1x10000xf32, #tpu.memory_space<hbm>>
        %dma_start3A_167 = tpu.memref_squeeze %dma_start3A_166 : memref<1x10000xf32, #tpu.memory_space<hbm>> -> memref<10000xf32, #tpu.memory_space<hbm>>
        %dma_start3A_168 = arith.constant 70000 : i32
        %dma_start3A_169 = tpu.memref_slice %arg6[%dma_start3A_168] : memref<80000xf32, #tpu.memory_space<vmem>> -> memref<10000xf32, #tpu.memory_space<vmem>>
        tpu.enqueue_dma source(%dma_start3A_169 : memref<10000xf32, #tpu.memory_space<vmem>>) target(%dma_start3A_167 : memref<10000xf32, #tpu.memory_space<hbm>>) target_semaphore(%run_scoped3A : memref<!tpu.dma_semaphore, #tpu.memory_space<semaphore_mem>>)
        %dma_wait3A = arith.constant 70000 : i32
        %dma_wait3A_170 = tpu.memref_slice %arg6[%dma_wait3A] : memref<80000xf32, #tpu.memory_space<vmem>> -> memref<10000xf32, #tpu.memory_space<vmem>>
        %dma_wait3A_171 = arith.constant 0 : i32
        %dma_wait3A_172 = tpu.memref_slice %arg5[%add3A_159, %dma_wait3A_171] : memref<128x10000xf32, #tpu.memory_space<hbm>> -> memref<1x10000xf32, #tpu.memory_space<hbm>>
        %dma_wait3A_173 = tpu.memref_squeeze %dma_wait3A_172 : memref<1x10000xf32, #tpu.memory_space<hbm>> -> memref<10000xf32, #tpu.memory_space<hbm>>
        %dma_wait3A_174 = arith.constant 0 : i32
        %dma_wait3A_175 = tpu.memref_slice %arg5[%add3A_159, %dma_wait3A_174] : memref<128x10000xf32, #tpu.memory_space<hbm>> -> memref<1x10000xf32, #tpu.memory_space<hbm>>
        %dma_wait3A_176 = tpu.memref_squeeze %dma_wait3A_175 : memref<1x10000xf32, #tpu.memory_space<hbm>> -> memref<10000xf32, #tpu.memory_space<hbm>>
        %dma_wait3A_177 = arith.constant 70000 : i32
        %dma_wait3A_178 = tpu.memref_slice %arg6[%dma_wait3A_177] : memref<80000xf32, #tpu.memory_space<vmem>> -> memref<10000xf32, #tpu.memory_space<vmem>>
        tpu.wait_dma2 semaphore(%run_scoped3A : memref<!tpu.dma_semaphore, #tpu.memory_space<semaphore_mem>>) src(%dma_wait3A_178 : memref<10000xf32, #tpu.memory_space<vmem>>) dst(%dma_wait3A_176 : memref<10000xf32, #tpu.memory_space<hbm>>)
        tpu.yield
      }) : () -> ()
    } else {
    }
    return
  }
}

module attributes {stable_mosaic.version = 14 : i64} {
  func.func @_t2_body(%arg0: i32, %arg1: memref<128x10000xf32, #tpu.memory_space<vmem>>, %arg2: memref<128x10000xf32, #tpu.memory_space<vmem>>, %arg3: memref<10000x128xf32, #tpu.memory_space<vmem>>, %arg4: memref<10000x128xf32, #tpu.memory_space<vmem>>) attributes {dimension_semantics = [#tpu.dimension_semantics<arbitrary>], iteration_bounds = array<i64: 1>, scalar_prefetch = 0 : i64, scratch_operands = 0 : i64, tpu.core_type = #tpu.core_type<tc>, window_params = [{pipeline_mode = #tpu.pipeline_mode<synchronous>, transform_indices = @transform_0, window_bounds = array<i64: 128, 10000>}, {pipeline_mode = #tpu.pipeline_mode<synchronous>, transform_indices = @transform_1, window_bounds = array<i64: 128, 10000>}, {pipeline_mode = #tpu.pipeline_mode<synchronous>, transform_indices = @transform_2, window_bounds = array<i64: 10000, 128>}, {pipeline_mode = #tpu.pipeline_mode<synchronous>, transform_indices = @transform_3, window_bounds = array<i64: 10000, 128>}]} {
    %get3A = arith.constant 0 : index
    %get3A_0 = arith.constant 0 : index
    %get3A_1 = vector.load %arg3[%get3A, %get3A_0] : memref<10000x128xf32, #tpu.memory_space<vmem>>, vector<10000x128xf32>
    %get3A_2 = arith.constant 0 : index
    %get3A_3 = arith.constant 0 : index
    %get3A_4 = vector.load %arg1[%get3A_2, %get3A_3] : memref<128x10000xf32, #tpu.memory_space<vmem>>, vector<128x10000xf32>
    %transpose3A = tpu.transpose %get3A_4, [1, 0] : vector<128x10000xf32> -> vector<10000x128xf32>
    %add3A = arith.addf %get3A_1, %transpose3A : vector<10000x128xf32>
    %get3A_5 = arith.constant 0 : index
    %get3A_6 = arith.constant 0 : index
    %get3A_7 = vector.load %arg2[%get3A_5, %get3A_6] : memref<128x10000xf32, #tpu.memory_space<vmem>>, vector<128x10000xf32>
    %transpose3A_8 = tpu.transpose %get3A_7, [1, 0] : vector<128x10000xf32> -> vector<10000x128xf32>
    %add3A_9 = arith.addf %add3A, %transpose3A_8 : vector<10000x128xf32>
    %swap3A = arith.constant 0 : index
    %swap3A_10 = arith.constant 0 : index
    %swap3A_11 = vector.load %arg4[%swap3A, %swap3A_10] : memref<10000x128xf32, #tpu.memory_space<vmem>>, vector<10000x128xf32>
    tpu.vector_store %arg4[%swap3A, %swap3A_10], %add3A_9 {strides = array<i32>} : memref<10000x128xf32, #tpu.memory_space<vmem>>, vector<10000x128xf32>,
    return
  }
  func.func @transform_0(%arg0: i32) -> (i32, i32) {
    %c0_i32 = arith.constant 0 : i32
    %c0_i32_0 = arith.constant 0 : i32
    %c0_i32_1 = arith.constant 0 : i32
    return %c0_i32, %c0_i32_0 : i32, i32
  }
  func.func @transform_1(%arg0: i32) -> (i32, i32) {
    %c0_i32 = arith.constant 0 : i32
    %c0_i32_0 = arith.constant 0 : i32
    %c0_i32_1 = arith.constant 0 : i32
    return %c0_i32, %c0_i32_0 : i32, i32
  }
  func.func @transform_2(%arg0: i32) -> (i32, i32) {
    %c0_i32 = arith.constant 0 : i32
    %c0_i32_0 = arith.constant 0 : i32
    %c0_i32_1 = arith.constant 0 : i32
    return %c0_i32, %c0_i32_0 : i32, i32
  }
  func.func @transform_3(%arg0: i32) -> (i32, i32) {
    %c0_i32 = arith.constant 0 : i32
    %c0_i32_0 = arith.constant 0 : i32
    %c0_i32_1 = arith.constant 0 : i32
    return %c0_i32, %c0_i32_0 : i32, i32
  }
}

</mosaic_0001>

<sc_bundles>
// kernel: kernel.4.cloned.1.call-start
scs
__scs_entry_jumppad:
0x0: {  	(pc) =	sbr.rel $0x88, $3  }
0x1: {  	(tag) =	ssettag $0x0;
	lr =	simm.s32 $0x1  }
0x2: {  	[smem:$0x3F9E] =	sst lr;
	_ =	strace $0xD0000000  }
0x3: {  	_ = 	snop  }
0x4: {  	_ = 	snop  }
0x5: {  	_ = 	snop  }
0x6: {  	_ = 	snop  }
0x7: {  	_ = 	snop  }
__scs_overlays_trampoline_lowered:
0x8: {  	[smem:$0x3FAD] =	sst s0  }
0x9: {  	[smem:$0x3FAE] =	sst s1  }
0xa: {  	[smem:$0x3FAF] =	sst s2  }
0xb: {  	[smem:$0x3FB0] =	sst s3  }
0xc: {  	[smem:$0x3FB1] =	sst s4  }
0xd: {  	[smem:$0x3FB2] =	sst s5  }
0xe: {  	[smem:$0x3FB3] =	sst s6  }
0xf: {  	[smem:$0x3FB4] =	sst s7  }
0x10: {  	[smem:$0x3FB5] =	sst s8  }
0x11: {  	[smem:$0x3FB6] =	sst s9;
	s0 =	simm.s32 @!p0 $0x0  }
0x12: {  	s1 =	sld [smem:$0x3F9C];
	s0 =	simm.s32 @p0 $0x1  }
0x13: {  	[smem:$0x3FB7] =	sst s0;
	s0 =	simm.s32 @!p1 $0x0  }
0x14: {  	s2 =	sld [smem:$0x3F9B];
	s0 =	simm.s32 @p1 $0x1  }
0x15: {  	[smem:$0x3FB8] =	sst s0;
	s0 =	simm.s32 @!p2 $0x0  }
0x16: {  	s3 =	sld [smem:$0x3FDB];
	s0 =	simm.s32 @p2 $0x1  }
0x17: {  	s4 =	simm.s32 $0x1BF5;
	[smem:$0x3FBA] =	sst s0  }
0x18: {  	s0 =	sld [smem:$0x3F9D];
	_ =	swait.ge [sflag:s4], $0x0  }
0x19: {  	s7 =	sld [smem:$0x3F9E]  }
0x1a: {  	s8 =	sadd.s32 $0xFFFFE003, lr  }
0x1b: {  	s9 =	sadd.s32 $0xFFFFFEF7, lr;
	s5 =	simm.s32 $0xFFFFFFFF;
	p2 =	slt.u32 s8, $0xFFFFF086  }
0x1c: {  	p1 =	slt.u32 s9, $0xF7A;
	s5 =	simm.s32 @!p2 $0x0  }
0x1d: {  	s5 =	simm.s32 @p1 $0x1;
	p0 =	seq.s32 s7, s2  }
0x1e: {  	s7 =	smul.u32 @!p0 $0xF7A, s2;
	p2 =	seq.s32 @!p0 s5, $0x0  }
0x1f: {  	s9 =	smul.u32 $0xF7A, s1;
	s8 =	simm.s32 @!p0 $0x1BF5;
	p2 =	por !p2, p0  }
0x20: {  	[sflag:s8] =	ssyncset.s32 @!p0 $0xFFFFF086;
	s6 =	sadd.s32 @!p0 s3, s7;
	s7 =	simm.s32 @!p0 $0x108  }
0x21: {  	s3 =	sadd.s32 s3, s9;
	s6 =	sadd.s32 @!p0 $0x88, s6;
	s7 =	simm.s32 @p2 $0x1082  }
0x22: {  	[simem:s7], [sflag:s8] =	dma.local @!p0 [hbm:s6], $0xF7A  }
0x23: {  	s9 =	sor.u32 $0xD0000000, s2;
	s6 =	simm.s32 $0x108;
	_ =	swait.ge @!p0 [sflag:s8], $0x0  }
0x24: {  	s3 =	sadd.s32 $0x88, s3;
	s6 =	simm.s32 @!p1 $0x1082;
	[sflag:s4] =	ssyncset.s32 $0xFFFFF086  }
0x25: {  	[simem:s6], [sflag:s4] =	dma.local [hbm:s3], $0xF7A  }
0x26: {  	[smem:$0x3F9E] =	sst s1;
	(tag) =	ssettag s2;
	_ =	strace s9  }
0x27: {  	s1 =	sld [smem:$0x3FAE]  }
0x28: {  	s2 =	sld [smem:$0x3FAF]  }
0x29: {  	s4 =	sld [smem:$0x3FB1]  }
0x2a: {  	p0 =	seq.s32 s5, $0x0;
	s5 =	sld [smem:$0x3FB2]  }
0x2b: {  	s6 =	sld [smem:$0x3FB3]  }
0x2c: {  	s7 =	sld [smem:$0x3FB4]  }
0x2d: {  	s3 =	simm.s32 $0x108;
	s8 =	sld [smem:$0x3FB5]  }
0x2e: {  	s3 =	simm.s32 @!p0 $0x1082;
	s9 =	sld [smem:$0x3FB6]  }
0x2f: {  	lr =	sadd.s32 s0, s3;
	s0 =	sld [smem:$0x3FAD]  }
0x30: {  	s3 =	sld [smem:$0x3FB0]  }
0x31: {  	[smem:$0x3FB9] =	sst s10  }
0x32: {  	s10 =	sld [smem:$0x3FB7];
	_ =	sdelay $0x3  }
0x33: {  	p0 =	seq.s32 s10, $0x1;
	s10 =	sld [smem:$0x3FB9];
	_ =	sdelay $0x3  }
0x34: {  	[smem:$0x3FB9] =	sst s10  }
0x35: {  	s10 =	sld [smem:$0x3FB8];
	_ =	sdelay $0x3  }
0x36: {  	p1 =	seq.s32 s10, $0x1;
	s10 =	sld [smem:$0x3FB9];
	_ =	sdelay $0x3  }
0x37: {  	[smem:$0x3FB9] =	sst s10  }
0x38: {  	s10 =	sld [smem:$0x3FBA]  }
0x39: {  	_ = 	snop;
	(pc) =	sbr.ind lr, $3  }
0x3a: {  	_ = 	snop  }
0x3b: {  	_ = 	snop  }
0x3c: {  	p2 =	seq.s32 s10, $0x1;
	s10 =	sld [smem:$0x3FB9]  }
0x3d: {  	_ =	shalt  }
0x3e: {  	_ =	shalt  }
0x3f: {  	_ =	shalt  }
0x40: {  	_ =	shalt  }
0x41: {  	_ =	shalt  }
0x42: {  	_ =	shalt  }
0x43: {  	_ =	shalt  }
0x44: {  	_ =	shalt  }
0x45: {  	_ =	shalt  }
0x46: {  	_ =	shalt  }
0x47: {  	_ =	shalt  }
0x48: {  	_ =	shalt  }
0x49: {  	_ =	shalt  }
0x4a: {  	_ =	shalt  }
0x4b: {  	_ =	shalt  }
0x4c: {  	_ =	shalt  }
0x4d: {  	_ =	shalt  }
0x4e: {  	_ =	shalt  }
0x4f: {  	_ =	shalt  }
0x50: {  	_ =	shalt  }
0x51: {  	_ =	shalt  }
0x52: {  	_ =	shalt  }
0x53: {  	_ =	shalt  }
0x54: {  	_ =	shalt  }
0x55: {  	_ =	shalt  }
0x56: {  	_ =	shalt  }
0x57: {  	_ =	shalt  }
0x58: {  	_ =	shalt  }
0x59: {  	_ =	shalt  }
0x5a: {  	_ =	shalt  }
0x5b: {  	_ =	shalt  }
0x5c: {  	_ =	shalt  }
0x5d: {  	_ =	shalt  }
0x5e: {  	_ =	shalt  }
0x5f: {  	_ =	shalt  }
0x60: {  	_ =	shalt  }
0x61: {  	_ =	shalt  }
0x62: {  	_ =	shalt  }
0x63: {  	_ =	shalt  }
0x64: {  	_ =	shalt  }
0x65: {  	_ =	shalt  }
0x66: {  	_ =	shalt  }
0x67: {  	_ =	shalt  }
0x68: {  	_ =	shalt  }
0x69: {  	_ =	shalt  }
0x6a: {  	_ =	shalt  }
0x6b: {  	_ =	shalt  }
0x6c: {  	_ =	shalt  }
0x6d: {  	_ =	shalt  }
0x6e: {  	_ =	shalt  }
0x6f: {  	_ =	shalt  }
0x70: {  	_ =	shalt  }
0x71: {  	_ =	shalt  }
0x72: {  	_ =	shalt  }
0x73: {  	_ =	shalt  }
0x74: {  	_ =	shalt  }
0x75: {  	_ =	shalt  }
0x76: {  	_ =	shalt  }
0x77: {  	_ =	shalt  }
0x78: {  	_ =	shalt  }
0x79: {  	_ =	shalt  }
0x7a: {  	_ =	shalt  }
0x7b: {  	_ =	shalt  }
0x7c: {  	_ =	shalt  }
0x7d: {  	_ =	shalt  }
0x7e: {  	_ =	shalt  }
0x7f: {  	_ =	shalt  }
0x80: {  	_ =	shalt  }
0x81: {  	_ =	shalt  }
0x82: {  	_ =	shalt  }
0x83: {  	_ =	shalt  }
0x84: {  	_ =	shalt  }
0x85: {  	_ =	shalt  }
0x86: {  	_ =	shalt  }
0x87: {  	_ =	shalt  }
.Lfunc_end0:
.L_simem_size_0:
called_computation_lowered:
.L_overlay_start_0:
0x88: {  	s2 =	sld [smem:$0x3FD9]  }
0x89: {  	s3 =	sld [smem:$0x3FFE];
	_ =	sdelay $0x1  }
0x8a: {  	s1 =	srdreg.scid  }
0x8b: {  	s0 =	sand.u32 $0x1, s1  }
0x8c: {  	s17 =	sshll.u32 s0, $0xA;
	s2 =	sadd.s32 s3, s2  }
0x8d: {  	s2 =	sadd.s32 s2, s17  }
0x8e: {  	[smem:$0x3FC5] =	sst s2  }
0x8f: {  	_ = 	snop  }
0x90: {  	s2 =	sld [smem:$0x3FC8]  }
0x91: {  	s18 =	sld [smem:$0x3FC7]  }
0x92: {  	s4 =	sld [smem:$0x3FD0];
	(tm) =	ssettm $0x1  }
0x93: {  	s5 =	sld [smem:$0x3FFB];
	_ =	sdelay $0x3  }
0x94: {  	_ =	strace s5  }
0x95: {  	s5 =	sld [smem:$0x3FFC];
	_ =	sdelay $0x3  }
0x96: {  	_ =	strace s5  }
0x97: {  	s5 =	sld [smem:$0x3FFD];
	_ =	sdelay $0x3  }
0x98: {  	_ =	strace s5  }
0x99: {  	_ =	strace $0x8FFFFFFF  }
0x9a: {  	s19 =	sld [smem:$0x3FDB];
	_ =	sdelay $0x1  }
0x9b: {  	s6 =	simm.s32 $_scs_section_size  }
0x9c: {  	s7 =	simm.s32 $_size__tile_overlayer_lowered;
	s8 =	simm.s32 $_tile_overlayer_lowered  }
0x9d: {  	s22 =	simm.s32 $0x1BFF;
	s21 =	sshll.u32 s8, $0x1;
	s5 =	sadd.s32 s6, s19  }
0x9e: {  	s9 =	simm.s32 $0x0;
	s20 =	sshll.u32 s7, $0x1;
	s7 =	sadd.s32 s21, s5  }
0x9f: {  	[timem:s9], [sflag:s22] =	dma.local [hbm:s7], s20  }
0xa0: {  	_ =	swait.ge [sflag:s22], s20  }
0xa1: {  	s6 =	ssub.s32 $0x0, s20;
	[sflag:s22] =	ssyncset.done $0x0  }
0xa2: {  	[sflag:s22] =	ssyncadd.s32 s6;
	_ =	sdelay $0x1  }
0xa3: {  	s23 =	simm.s32 $0x1B8B  }
0xa4: {  	_ =	swait.ge [sflag:s23], $0x1  }
0xa5: {  	[sflag:s23] =	ssyncset.done $0x0  }
0xa6: {  	s25 =	simm.s32 $0x1B8E;
	s24 =	sld [smem:$0x3FFE];
	[sflag:s23] =	ssyncadd.s32 $0xFFFFFFFF  }
0xa7: {  	s26 =	simm.s32 $execute0_lowered;
	[smem:$0x3FD2] =	sst s25  }
0xa8: {  	s7 =	sshll.u32 s26, $0x1;
	_ =	strace $0x80000046;
	[dreg:$0x1] =	wrdreg $0xFFFFFFFF  }
0xa9: {  	s28 =	simm.s32 $_size_execute0_lowered;
	s5 =	sadd.s32 s5, s7;
	[dreg:$0x0] =	wrdreg $0x0  }
0xaa: {  	s7 =	sshll.u32 s28, $0x1;
	[dreg:$0x2] =	wrdreg s5  }
0xab: {  	[dreg:$0x3] =	wrdreg s7  }
0xac: {  	[dreg:$0x4] =	wrdreg $0xC0  }
0xad: {  	_ =	task [dreg:s9], $0x5FFFF  }
0xae: {  	[dreg:$0x1] =	wrdreg $0xFFFFFFFF  }
0xaf: {  	[dreg:$0x0] =	wrdreg $0x60  }
0xb0: {  	[dreg:$0x2] =	wrdreg s2  }
0xb1: {  	[dreg:$0x3] =	wrdreg s18  }
0xb2: {  	[dreg:$0x4] =	wrdreg s4  }
0xb3: {  	[dreg:$0x5] =	wrdreg s24  }
0xb4: {  	[dreg:$0x6] =	wrdreg $0x9  }
0xb5: {  	_ =	task.clear_ibuf [dreg:s9], $0x7FFFF;
	_ =	strace $0x90000046  }
0xb6: {  	s29 =	simm.s32 $0x9;
	_ =	strace $0x80000048  }
0xb7: {  	_ =	swait.ge [sflag:s29], $0x1  }
0xb8: {  	[sflag:s29] =	ssyncadd.s32 $0xFFFFFFFF  }
0xb9: {  	_ =	strace $0x90000048  }
0xba: {  	_ =	sfence  }
0xbb: {  	s30 =	sld [smem:$0x0];
	_ =	sdelay $0x2  }
0xbc: {  	s31 =	sshll.u32 s1, $0xD;
	s1 =	sshrl.u32 s1, $0x2  }
0xbd: {  	s3 =	sand.u32 $0x4000, s31;
	s1 =	sadd.s32 s1, s30  }
0xbe: {  	s0 =	sor.u32 s3, s0;
	s1 =	sshll.u32 s1, $0x11  }
0xbf: {  	s0 =	sor.u32 s1, s0  }
0xc0: {  	s0 =	sadd.s32 $0x8F2B, s0  }
0xc1: {  	[sflag:s0] =	ssyncadd.remote.s32 $0x1  }
0xc2: {  	_ =	sfence.sel $0xFFFF  }
0xc3: {  	[dreg:$0x0] =	wrdreg $0xFFFFFFFF;
	(pc) =	sbr.abs _section_cstart, $3  }
0xc4: {  	[dreg:$0x1] =	wrdreg $0xFFFFFFFF  }
0xc5: {  	_ =	task.clear_ibuf [dreg:s9], $0x2FFFF;
	_ =	strace $0x9FFFFFFF  }
0xc6: {  	(tm) =	ssettm $0x7FFFFFFF  }
0xc7: {  	_ =	shalt  }
tec
execute0_lowered:
.L_overlay_start_1:
0x0: {  	(tag) =	ssettag $0x1  }
0x1: {  	s1 =	rddreg [dreg:$0x0]  }
0x2: {  	s2 =	rddreg [dreg:$0x1]  }
0x3: {  	s0 =	rddreg [dreg:$0x2]  }
0x4: {  	s3 =	rddreg [dreg:$0x3];
	s4 =	simm.s32 $0x0  }
0x5: {  	s5 =	srdreg.scid;
	s7 =	stileid.u32;
	s28 =	simm.s32 $0x8  }
0x6: {  	s29 =	simm.s32 $0x80;
	s30 =	simm.s32 $0x13880;
	s31 =	simm.s32 $0x17700  }
0x7: {  	[smem:$0x7FF] =	sst s4;
	s5 =	sand.u32 $0x1, s5;
	s6 =	sshrl.u32 s7, $0x3  }
0x8: {  	s7 =	sshll.u32 s7, $0x3;
	s3 =	sadd.s32 $0x1200, s3;
	s8 =	sshll.u32 s5, $0x6  }
0x9: {  	s7 =	sand.u32 $0x38, s7;
	s9 =	smul.u32 $0x1388000, s6;
	_ =	strace $0x80000047  }
0xa: {  	s10 =	ssub.s32 $0x2, s5;
	s11 =	smul.u32 $0x27100, s6;
	s6 =	sand.u32 $0x1, s6  }
0xb: {  	s5 =	sor.u32 s8, s7;
	s25 =	sshrl.u32 s10, $0x1;
	p0 =	seq.s32 s6, $0x1  }
0xc: {  	s6 =	simm.s32 $0x157C0;
	s8 =	sor.u32 s9, s5;
	s17 =	smul.u32 $0x2710, s5  }
0xd: {  	s7 =	ssub.s32 s10, s25;
	s16 =	sadd.s32 $0x7D0, s11;
	s18 =	smul.u32 $0x4E2, s5  }
0xe: {  	s19 =	sadd.s32 $0xDAC, s11;
	s0 =	smov.u32 @p0 s3;
	s9 =	sshrl.u32 s8, $0x3  }
0xf: {  	s26 =	sadd.s32 $0xFA00, s8;
	s13 =	sadd.s32 $0x1F400, s8;
	[dreg:$0xd] =	wrdreg s16  }
0x10: {  	s8 =	sadd.s32 $0x2EE00, s8;
	s16 =	sadd.s32 $0xBB8, s11;
	[dreg:$0xe] =	wrdreg s19  }
0x11: {  	s7 =	smax.u32 s7, $0x1;
	s19 =	simm.s32 $0x7;
	s12 =	sadd.s32 s1, s9  }
0x12: {  	s10 =	sshrl.u32 s26, $0x3;
	s9 =	sadd.s32 s2, s9;
	[dreg:$0xf] =	wrdreg s7  }
0x13: {  	s8 =	sshrl.u32 s8, $0x3;
	s7 =	simm.s32 $0x19640;
	[dreg:$0x5] =	wrdreg s12  }
0x14: {  	[dreg:$0x6] =	wrdreg s9;
	s12 =	sadd.s32 s1, s10;
	s10 =	sadd.s32 s2, s10  }
0x15: {  	s9 =	sshrl.u32 s13, $0x3;
	s15 =	sadd.s32 s1, s8;
	[dreg:$0x7] =	wrdreg s12  }
0x16: {  	s8 =	sadd.s32 s2, s8;
	s13 =	simm.s32 $0x6;
	[dreg:$0x8] =	wrdreg s10  }
0x17: {  	s14 =	sadd.s32 s1, s9;
	s9 =	sadd.s32 s2, s9;
	[dreg:$0xb] =	wrdreg s15  }
0x18: {  	[dreg:$0xc] =	wrdreg s8;
	s15 =	sadd.s32 $0x9C4, s11;
	s8 =	sshrl.u32 s17, $0x3  }
0x19: {  	s10 =	simm.s32 $0x1;
	s11 =	simm.s32 $0x5;
	[dreg:$0x9] =	wrdreg s14  }
0x1a: {  	[dreg:$0xa] =	wrdreg s9;
	s3 =	sadd.s32 s0, s8;
	s0 =	sadd.s32 s0, s18  }
0x1b: {  	s12 =	simm.s32 $0x2;
	[dreg:$0x10] =	wrdreg s0;
	s20 =	sadd.s32 $0x4E2, s3  }
0x1c: {  	s8 =	simm.s32 $0x16760;
	s21 =	sadd.s32 $0x9C4, s3;
	[dreg:$0x11] =	wrdreg s20  }
0x1d: {  	s9 =	simm.s32 $0x1A5E0;
	s22 =	sadd.s32 $0xEA6, s3;
	[dreg:$0x12] =	wrdreg s21  }
.Ltmp0:
0x1e: {  	s23 =	sadd.s32 $0x1388, s3;
	[dreg:$0x13] =	wrdreg s22;
	(pc) =	sbr.rel .LBB2_1-.Ltmp0, $4  }
0x1f: {  	v0 =	vlaneseq.u32;
	s18 =	simm.s32 $0x3;
	s24 =	sadd.s32 $0x186A, s3;
	[dreg:$0x14] =	wrdreg s23  }
0x20: {  	v2 =	vshrl.u32 v0, $0x3;
	v0 =	vand.u32 $0x7, v0;
	s25 =	sadd.s32 $0x1D4C, s3;
	s26 =	sadd.s32 $0x222E, s3;
	[dreg:$0x15] =	wrdreg s24  }
0x21: {  	v3 =	vmul.u32 $0x2710, v0;
	s0 =	simm.s32 $0x14820;
	s3 =	simm.s32 $0x186A0;
	[dreg:$0x16] =	wrdreg s25  }
0x22: {  	v1 =	vimm.f32 $0.0e+00;
	v2 =	vmul.u32 $0x8, v2;
	[dreg:$0x17] =	wrdreg s26;
	s20 =	simm.s32 $0x4;
	s21 =	simm.s32 $0x0  }
.LBB2_22:
0x23: {  	s14 =	rddreg [dreg:$0x10];
	s17 =	simm.s32 $0x9  }
0x24: {  	[hbm4b:s14+s4] =	stream.linear.scatter [tilespmem:s4], [sflag:$0x9], $0x2710, $0x38;
	[tilespmem:$0x1B580] =	vst v63  }
0x25: {  	_ =	swait.ge [sflag:s17], $0x2710  }
0x26: {  	[sflag:s17] =	ssyncset.done $0x0  }
0x27: {  	s21 =	simm.s32 $0x2710;
	s24 =	rddreg [dreg:$0x11];
	[sflag:s17] =	ssyncadd.s32 $0xFFFFD8F0  }
0x28: {  	[hbm4b:s24+s4] =	stream.linear.scatter [tilespmem:s21], [sflag:$0x9], $0x2710, $0x38;
	[tilespmem:$0x1B580] =	vst v63  }
0x29: {  	_ =	swait.ge [sflag:s17], $0x2710  }
0x2a: {  	[sflag:s17] =	ssyncset.done $0x0  }
0x2b: {  	s26 =	simm.s32 $0x4E20;
	s25 =	rddreg [dreg:$0x12];
	[sflag:s17] =	ssyncadd.s32 $0xFFFFD8F0  }
0x2c: {  	[hbm4b:s25+s4] =	stream.linear.scatter [tilespmem:s26], [sflag:$0x9], $0x2710, $0x38;
	[tilespmem:$0x1B580] =	vst v63  }
0x2d: {  	_ =	swait.ge [sflag:s17], $0x2710  }
0x2e: {  	[sflag:s17] =	ssyncset.done $0x0  }
0x2f: {  	s22 =	simm.s32 $0x7530;
	s21 =	rddreg [dreg:$0x13];
	[sflag:s17] =	ssyncadd.s32 $0xFFFFD8F0  }
0x30: {  	[hbm4b:s21+s4] =	stream.linear.scatter [tilespmem:s22], [sflag:$0x9], $0x2710, $0x38;
	[tilespmem:$0x1B580] =	vst v63  }
0x31: {  	_ =	swait.ge [sflag:s17], $0x2710  }
0x32: {  	[sflag:s17] =	ssyncset.done $0x0  }
0x33: {  	s24 =	simm.s32 $0x9C40;
	s23 =	rddreg [dreg:$0x14];
	[sflag:s17] =	ssyncadd.s32 $0xFFFFD8F0  }
0x34: {  	[hbm4b:s23+s4] =	stream.linear.scatter [tilespmem:s24], [sflag:$0x9], $0x2710, $0x38;
	[tilespmem:$0x1B580] =	vst v63  }
0x35: {  	_ =	swait.ge [sflag:s17], $0x2710  }
0x36: {  	[sflag:s17] =	ssyncset.done $0x0  }
0x37: {  	s26 =	simm.s32 $0xC350;
	s25 =	rddreg [dreg:$0x15];
	[sflag:s17] =	ssyncadd.s32 $0xFFFFD8F0  }
0x38: {  	[hbm4b:s25+s4] =	stream.linear.scatter [tilespmem:s26], [sflag:$0x9], $0x2710, $0x38;
	[tilespmem:$0x1B580] =	vst v63  }
0x39: {  	_ =	swait.ge [sflag:s17], $0x2710  }
0x3a: {  	[sflag:s17] =	ssyncset.done $0x0  }
0x3b: {  	s22 =	simm.s32 $0xEA60;
	s21 =	rddreg [dreg:$0x16];
	[sflag:s17] =	ssyncadd.s32 $0xFFFFD8F0  }
0x3c: {  	[hbm4b:s21+s4] =	stream.linear.scatter [tilespmem:s22], [sflag:$0x9], $0x2710, $0x38;
	[tilespmem:$0x1B580] =	vst v63  }
0x3d: {  	_ =	swait.ge [sflag:s17], $0x2710  }
0x3e: {  	[sflag:s17] =	ssyncset.done $0x0  }
0x3f: {  	s24 =	simm.s32 $0x11170;
	s23 =	rddreg [dreg:$0x17];
	[sflag:s17] =	ssyncadd.s32 $0xFFFFD8F0  }
0x40: {  	[hbm4b:s23+s4] =	stream.linear.scatter [tilespmem:s24], [sflag:$0x9], $0x2710, $0x38;
	[tilespmem:$0x1B580] =	vst v63  }
0x41: {  	_ =	swait.ge [sflag:s17], $0x2710  }
0x42: {  	s25 =	rddreg [dreg:$0x18]  }
0x43: {  	s26 =	rddreg [dreg:$0xf];
	s21 =	sadd.s32 $0x1, s25  }
0x44: {  	p0 =	sne.s32 s21, s26  }
.Ltmp1:
0x45: {  	_ = 	snop;
	(pc) =	sbr.rel @!p0 .LBB2_23-.Ltmp1, $3  }
0x46: {  	_ =	sdelay $0x1  }
0x47: {  	[sflag:s17] =	ssyncset.done $0x0  }
0x48: {  	[sflag:s17] =	ssyncadd.s32 $0xFFFFD8F0  }
.LBB2_1:
0x49: {  	s22 =	simm.s32 $0x40  }
0x4a: {  	[tilespmem:s22+$0xFFFFFFC0] =	vst v1  }
0x4b: {  	[tilespmem:s22+$0x30] =	vst v1  }
0x4c: {  	[tilespmem:s22+$0x20] =	vst v1  }
0x4d: {  	[tilespmem:s22+$0x10] =	vst v1  }
0x4e: {  	[tilespmem:s22+$0x0] =	vst v1  }
0x4f: {  	[tilespmem:s22+$0xFFFFFFF0] =	vst v1  }
0x50: {  	s23 =	simm.s32 $0x0;
	[tilespmem:s22+$0xFFFFFFE0] =	vst v1  }
.LBB2_2:
0x51: {  	s23 =	sadd.s32 $0x8, s23;
	[tilespmem:s22+$0xFFFFFFD0] =	vst v1;
	s22 =	sadd.s32 $0x80, s22  }
0x52: {  	[tilespmem:s22+$0xFFFFFFC0] =	vst v1;
	p0 =	slt.u32 s23, $0x1380  }
0x53: {  	[tilespmem:s22+$0x30] =	vst v1  }
.Ltmp2:
0x54: {  	[tilespmem:s22+$0x20] =	vst v1;
	(pc) =	sbr.rel @p0 .LBB2_2-.Ltmp2, $4  }
0x55: {  	[tilespmem:s22+$0x10] =	vst v1  }
0x56: {  	[tilespmem:s22+$0x0] =	vst v1  }
0x57: {  	[tilespmem:s22+$0xFFFFFFF0] =	vst v1  }
0x58: {  	[tilespmem:s22+$0xFFFFFFE0] =	vst v1  }
0x59: {  	[dreg:$0x18] =	wrdreg s21  }
0x5a: {  	[tilespmem:s22+$0xFFFFFFD0] =	vst v1;
	s14 =	rddreg [dreg:$0x5]  }
0x5b: {  	[tilespmem:s30], [sflag:$0x1] =	stream.strided.gather [hbm4b:s14+s28], $0xFA0, s29, s28, $0x38;
	[tilespmem:$0x1B580] =	vst v63  }
0x5c: {  	s17 =	rddreg [dreg:$0x6]  }
0x5d: {  	[tilespmem:s31], [sflag:$0x5] =	stream.strided.gather [hbm4b:s17+s28], $0xFA0, s29, s28, $0x38;
	[tilespmem:$0x1B580] =	vst v63  }
0x5e: {  	s21 =	rddreg [dreg:$0x7]  }
0x5f: {  	[tilespmem:s0], [sflag:$0x2] =	stream.strided.gather [hbm4b:s21+s28], $0xFA0, s29, s28, $0x38;
	[tilespmem:$0x1B580] =	vst v63  }
0x60: {  	s22 =	rddreg [dreg:$0x8]  }
0x61: {  	[tilespmem:s3], [sflag:$0x6] =	stream.strided.gather [hbm4b:s22+s28], $0xFA0, s29, s28, $0x38;
	[tilespmem:$0x1B580] =	vst v63  }
0x62: {  	s23 =	rddreg [dreg:$0x9]  }
0x63: {  	[tilespmem:s6], [sflag:$0x3] =	stream.strided.gather [hbm4b:s23+s28], $0xFA0, s29, s28, $0x38;
	[tilespmem:$0x1B580] =	vst v63  }
0x64: {  	s24 =	rddreg [dreg:$0xa]  }
0x65: {  	[tilespmem:s7], [sflag:$0x7] =	stream.strided.gather [hbm4b:s24+s28], $0xFA0, s29, s28, $0x38;
	[tilespmem:$0x1B580] =	vst v63  }
0x66: {  	s25 =	rddreg [dreg:$0xb]  }
0x67: {  	[tilespmem:s8], [sflag:$0x4] =	stream.strided.gather [hbm4b:s25+s28], $0xFA0, s29, s28, $0x38;
	[tilespmem:$0x1B580] =	vst v63  }
0x68: {  	s26 =	rddreg [dreg:$0xc];
	s23 =	simm.s32 $0x0  }
0x69: {  	[tilespmem:s9], [sflag:$0x8] =	stream.strided.gather [hbm4b:s26+s28], $0xFA0, s29, s28, $0x38;
	[tilespmem:$0x1B580] =	vst v63  }
.LBB2_4:
0x6a: {  	s22 =	simm.s32 $0x4  }
0x6b: {  	v4 =	vmov s22  }
0x6c: {  	s14 =	simm.s32 $0x2;
	v4 =	vshll.u32 v4, $0x3  }
0x6d: {  	_ =	swait.ge [sflag:s10], $0xFA0;
	v5 =	vmov s14;
	v4 =	vor.u32 v2, v4  }
0x6e: {  	s24 =	simm.s32 $0xE;
	[sflag:s10] =	ssyncset.done $0x0;
	v5 =	vshll.u32 v5, $0x3;
	v7 =	vor.u32 v0, v4  }
0x6f: {  	s17 =	simm.s32 $0x6;
	v6 =	vmov s24;
	[sflag:s10] =	ssyncadd.s32 $0xFFFFF060;
	v4 =	vor.u32 v2, v5  }
0x70: {  	s21 =	simm.s32 $0xC;
	_ =	swait.ge [sflag:s11], $0xFA0;
	v5 =	vshll.u32 v6, $0x3;
	v6 =	vor.u32 v0, v4;
	v4 =	vmov s17  }
0x71: {  	v9 =	vmov s21;
	[sflag:s11] =	ssyncset.done $0x0;
	v5 =	vor.u32 v2, v5;
	v4 =	vshll.u32 v4, $0x3  }
0x72: {  	[sflag:s11] =	ssyncadd.s32 $0xFFFFF060;
	v8 =	vor.u32 v0, v5;
	v5 =	vshll.u32 v9, $0x3;
	v9 =	vor.u32 v2, v4  }
0x73: {  	s24 =	simm.s32 $0x0;
	v5 =	vor.u32 v2, v5;
	v11 =	vor.u32 v0, v9;
	v4 =	vld.idx.msk [tilespmem:v7+s31+$0x0], $0xffff  }
0x74: {  	s25 =	simm.s32 $0xA;
	v10 =	vmov s24;
	v12 =	vor.u32 v0, v5;
	v17 =	vld.idx.msk [tilespmem:v7+s30+$0x0], $0xffff  }
0x75: {  	s26 =	simm.s32 $0x8;
	v9 =	vshll.u32 v10, $0x3;
	v5 =	vmov s25;
	v19 =	vld.idx.msk [tilespmem:v6+s30+$0x0], $0xffff  }
0x76: {  	v10 =	vmov s26;
	v7 =	vor.u32 v2, v9;
	v9 =	vshll.u32 v5, $0x3;
	v15 =	vld.idx.msk [tilespmem:v6+s31+$0x0], $0xffff  }
0x77: {  	v5 =	vor.u32 v0, v7;
	v7 =	vshll.u32 v10, $0x3;
	v9 =	vor.u32 v2, v9;
	v14 =	vld.idx.msk [tilespmem:v8+s30+$0x0], $0xffff  }
0x78: {  	v6 =	vor.u32 v2, v7;
	v10 =	vor.u32 v0, v9;
	v7 =	vld.idx.msk [tilespmem:v11+s31+$0x0], $0xffff  }
0x79: {  	v9 =	vor.u32 v0, v6;
	v6 =	vld.idx.msk [tilespmem:v12+s31+$0x0], $0xffff  }
0x7a: {  	v18 =	vld.idx.msk [tilespmem:v11+s30+$0x0], $0xffff  }
0x7b: {  	v16 =	vld.idx.msk [tilespmem:v12+s30+$0x0], $0xffff;
	v19 =	vadd.s32 v3, v19  }
0x7c: {  	v13 =	vld.idx.msk [tilespmem:v5+s30+$0x0], $0xffff  }
0x7d: {  	v11 =	vld.idx.msk [tilespmem:v10+s30+$0x0], $0xffff  }
0x7e: {  	s24 =	simm.s32 $0x1F0;
	s25 =	simm.s32 $0x0;
	s26 =	simm.s32 $0x1E;
	v17 =	vadd.s32 v3, v17;
	v12 =	vld.idx.msk [tilespmem:v9+s30+$0x0], $0xffff  }
.LBB2_5:
0x7f: {  	s22 =	sadd.s32 $0xFFFFFFF2, s26;
	s21 =	sadd.s32 $0xFFFFFFF6, s26;
	s17 =	sadd.s32 $0xFFFFFFFC, s26;
	v20 =	vmov s26;
	v8 =	vld.idx.msk [tilespmem:v8+s31+$0x0], $0xffff;
	v14 =	vadd.s32 v3, v14  }
0x80: {  	s14 =	sadd.s32 $0xFFFFFFF4, s26;
	v21 =	vmov s21;
	s21 =	sadd.s32 $0xFFFFFFF8, s26;
	v22 =	vmov s17;
	s17 =	sadd.s32 $0xFFFFFFFE, s26;
	[tilespmem:v19+s4+$0x0] =	vst.idx.add.f32.msk $0xffff, v15;
	v15 =	vadd.s32 v3, v18  }
0x81: {  	s25 =	sadd.s32 $0x8, s25;
	v18 =	vmov s14;
	s14 =	sadd.s32 $0xFFFFFFFA, s26;
	v13 =	vadd.s32 v3, v13;
	v19 =	vshll.u32 v21, $0x3;
	v10 =	vld.idx.msk [tilespmem:v10+s31+$0x0], $0xffff  }
0x82: {  	p0 =	slt.u32 s25, $0xF0;
	v18 =	vshll.u32 v18, $0x3;
	v16 =	vadd.s32 v3, v16;
	v19 =	vor.u32 v2, v19;
	v9 =	vld.idx.msk [tilespmem:v9+s31+$0x0], $0xffff  }
0x83: {  	v21 =	vmov s22;
	v18 =	vor.u32 v2, v18;
	[tilespmem:v17+s4+$0x0] =	vst.idx.add.f32.msk $0xffff, v4;
	v4 =	vadd.s32 v3, v11  }
0x84: {  	v11 =	vor.u32 v0, v18;
	v17 =	vshll.u32 v20, $0x3;
	v12 =	vadd.s32 v3, v12;
	v5 =	vld.idx.msk [tilespmem:v5+s31+$0x0], $0xffff  }
0x85: {  	v18 =	vshll.u32 v21, $0x3;
	v19 =	vor.u32 v0, v19;
	v20 =	vmov s17;
	[tilespmem:v15+s4+$0x0] =	vst.idx.add.f32.msk $0xffff, v7  }
0x86: {  	v20 =	vshll.u32 v20, $0x3;
	v7 =	vmov s21;
	v15 =	vshll.u32 v22, $0x3;
	[tilespmem:v14+s4+$0x0] =	vst.idx.add.f32.msk $0xffff, v8  }
0x87: {  	v17 =	vor.u32 v2, v17;
	v8 =	vmov s14;
	v14 =	vor.u32 v2, v20;
	[tilespmem:v16+s4+$0x0] =	vst.idx.add.f32.msk $0xffff, v6  }
0x88: {  	v15 =	vor.u32 v2, v15;
	v6 =	vshll.u32 v7, $0x3;
	v7 =	vshll.u32 v8, $0x3;
	[tilespmem:v4+s4+$0x0] =	vst.idx.add.f32.msk $0xffff, v10  }
0x89: {  	v8 =	vor.u32 v0, v17;
	v7 =	vor.u32 v2, v7;
	[tilespmem:v12+s4+$0x0] =	vst.idx.add.f32.msk $0xffff, v9  }
0x8a: {  	v6 =	vor.u32 v2, v6;
	[tilespmem:v13+s4+$0x0] =	vst.idx.add.f32.msk $0xffff, v5  }
0x8b: {  	v16 =	vor.u32 v0, v14;
	v12 =	vor.u32 v0, v6;
	v5 =	vor.u32 v2, v18;
	v4 =	vld.idx.msk [tilespmem:v19+s31+$0x0], $0xffff  }
0x8c: {  	v9 =	vor.u32 v0, v7;
	v5 =	vor.u32 v0, v5;
	v17 =	vld.idx.msk [tilespmem:v19+s30+$0x0], $0xffff  }
0x8d: {  	v10 =	vor.u32 v0, v15;
	v19 =	vld.idx.msk [tilespmem:v11+s30+$0x0], $0xffff  }
0x8e: {  	v14 =	vld.idx.msk [tilespmem:v8+s30+$0x0], $0xffff  }
0x8f: {  	v15 =	vld.idx.msk [tilespmem:v11+s31+$0x0], $0xffff  }
0x90: {  	v7 =	vld.idx.msk [tilespmem:v12+s31+$0x0], $0xffff  }
0x91: {  	v6 =	vld.idx.msk [tilespmem:v16+s31+$0x0], $0xffff  }
.Ltmp3:
0x92: {  	v18 =	vld.idx.msk [tilespmem:v12+s30+$0x0], $0xffff;
	(pc) =	sbr.rel @p0 .LBB2_5-.Ltmp3, $4  }
0x93: {  	v19 =	vadd.s32 v3, v19;
	v13 =	vld.idx.msk [tilespmem:v5+s30+$0x0], $0xffff  }
0x94: {  	v16 =	vld.idx.msk [tilespmem:v16+s30+$0x0], $0xffff  }
0x95: {  	v11 =	vld.idx.msk [tilespmem:v10+s30+$0x0], $0xffff  }
0x96: {  	s26 =	sadd.s32 $0x10, s26;
	v17 =	vadd.s32 v3, v17;
	v12 =	vld.idx.msk [tilespmem:v9+s30+$0x0], $0xffff  }
0x97: {  	_ =	sdelay $0x3  }
0x98: {  	v8 =	vld.idx.msk [tilespmem:v8+s31+$0x0], $0xffff  }
0x99: {  	[tilespmem:v19+s4+$0x0] =	vst.idx.add.f32.msk $0xffff, v15;
	v61 =	vadd.s32 v3, v18  }
0x9a: {  	v14 =	vadd.s32 v3, v14;
	v10 =	vld.idx.msk [tilespmem:v10+s31+$0x0], $0xffff  }
0x9b: {  	v5 =	vld.idx.msk [tilespmem:v5+s31+$0x0], $0xffff;
	v63 =	vadd.s32 v3, v13  }
0x9c: {  	v9 =	vld.idx.msk [tilespmem:v9+s31+$0x0], $0xffff;
	v16 =	vadd.s32 v3, v16  }
0x9d: {  	[tilespmem:v17+s4+$0x0] =	vst.idx.add.f32.msk $0xffff, v4;
	v4 =	vadd.s32 v3, v11  }
0x9e: {  	v62 =	vadd.s32 v3, v12;
	[tilespmem:v61+s4+$0x0] =	vst.idx.add.f32.msk $0xffff, v7  }
0x9f: {  	[tilespmem:v14+s4+$0x0] =	vst.idx.add.f32.msk $0xffff, v8  }
0xa0: {  	[tilespmem:v63+s4+$0x0] =	vst.idx.add.f32.msk $0xffff, v5  }
0xa1: {  	[tilespmem:v16+s4+$0x0] =	vst.idx.add.f32.msk $0xffff, v6  }
0xa2: {  	[tilespmem:v4+s4+$0x0] =	vst.idx.add.f32.msk $0xffff, v10  }
0xa3: {  	[tilespmem:v62+s4+$0x0] =	vst.idx.add.f32.msk $0xffff, v9  }
.LBB2_7:
0xa4: {  	v4 =	vmov s24  }
0xa5: {  	v4 =	vshll.u32 v4, $0x3  }
0xa6: {  	v4 =	vor.u32 v2, v4  }
0xa7: {  	v4 =	vor.u32 v0, v4;
	_ =	sdelay $0x4  }
0xa8: {  	v5 =	vld.idx.msk [tilespmem:v4+s30+$0x0], $0xffff;
	_ =	sdelay $0x4  }
0xa9: {  	p0 =	sne.s32 s24, $0x1F2;
	v4 =	vld.idx.msk [tilespmem:v4+s31+$0x0], $0xffff;
	v5 =	vadd.s32 v3, v5  }
.Ltmp4:
0xaa: {  	_ = 	snop;
	(pc) =	sbr.rel @p0 .LBB2_7-.Ltmp4, $2  }
0xab: {  	_ =	sdelay $0x2  }
0xac: {  	s24 =	sadd.s32 $0x2, s24;
	[tilespmem:v5+s4+$0x0] =	vst.idx.add.f32.msk $0xffff, v4  }
0xad: {  	p0 =	seq.s32 s23, $0x4F  }
0xae: {  	s24 =	smul.u32 @!p0 $0x7D0, s23  }
0xaf: {  	s14 =	rddreg [dreg:$0xd]  }
0xb0: {  	s14 =	sadd.s32 @!p0 s24, s14  }
0xb1: {  	s14 =	sshll.u32 @!p0 s14, $0x7  }
0xb2: {  	s14 =	sor.u32 @!p0 s5, s14  }
0xb3: {  	s26 =	simm.s32 $0x4;
	s21 =	simm.s32 @!p0 $0x8;
	s14 =	sshrl.u32 @!p0 s14, $0x3  }
0xb4: {  	s22 =	simm.s32 @!p0 $0x80;
	s25 =	simm.s32 @!p0 $0x13880;
	s17 =	sadd.s32 @!p0 s1, s14  }
0xb5: {  	[tilespmem:s25], [sflag:$0x1] =	stream.strided.gather @!p0 [hbm4b:s17+s21], $0xFA0, s22, s21, $0x38;
	[tilespmem:$0x1B580] =	vst v63  }
0xb6: {  	v4 =	vmov s26;
	s14 =	sadd.s32 @!p0 s2, s14;
	s17 =	simm.s32 @!p0 $0x17700;
	s25 =	simm.s32 $0x2  }
0xb7: {  	v4 =	vshll.u32 v4, $0x3;
	[tilespmem:s17], [sflag:$0x5] =	stream.strided.gather @!p0 [hbm4b:s14+s21], $0xFA0, s22, s21, $0x38;
	[tilespmem:$0x1B580] =	vst v63  }
0xb8: {  	v4 =	vor.u32 v2, v4;
	v5 =	vmov s25;
	_ =	swait.ge [sflag:s12], $0xFA0  }
0xb9: {  	s26 =	simm.s32 $0xE;
	v7 =	vor.u32 v0, v4;
	v5 =	vshll.u32 v5, $0x3;
	[sflag:s12] =	ssyncset.done $0x0  }
0xba: {  	v6 =	vmov s26;
	s17 =	simm.s32 $0x6;
	v4 =	vor.u32 v2, v5;
	[sflag:s12] =	ssyncadd.s32 $0xFFFFF060  }
0xbb: {  	s21 =	simm.s32 $0xC;
	v5 =	vshll.u32 v6, $0x3;
	v6 =	vor.u32 v0, v4;
	v4 =	vmov s17;
	_ =	swait.ge [sflag:s13], $0xFA0  }
0xbc: {  	v9 =	vmov s21;
	v5 =	vor.u32 v2, v5;
	v4 =	vshll.u32 v4, $0x3;
	[sflag:s13] =	ssyncset.done $0x0  }
0xbd: {  	v8 =	vor.u32 v0, v5;
	v5 =	vshll.u32 v9, $0x3;
	v9 =	vor.u32 v2, v4;
	[sflag:s13] =	ssyncadd.s32 $0xFFFFF060  }
0xbe: {  	s22 =	simm.s32 $0x0;
	v5 =	vor.u32 v2, v5;
	v11 =	vor.u32 v0, v9;
	v4 =	vld.idx.msk [tilespmem:v7+s3+$0x0], $0xffff  }
0xbf: {  	s25 =	simm.s32 $0xA;
	v10 =	vmov s22;
	v12 =	vor.u32 v0, v5;
	v17 =	vld.idx.msk [tilespmem:v7+s0+$0x0], $0xffff  }
0xc0: {  	s26 =	simm.s32 $0x8;
	v9 =	vshll.u32 v10, $0x3;
	v5 =	vmov s25;
	v19 =	vld.idx.msk [tilespmem:v6+s0+$0x0], $0xffff  }
0xc1: {  	v10 =	vmov s26;
	v7 =	vor.u32 v2, v9;
	v9 =	vshll.u32 v5, $0x3;
	v15 =	vld.idx.msk [tilespmem:v6+s3+$0x0], $0xffff  }
0xc2: {  	v5 =	vor.u32 v0, v7;
	v14 =	vld.idx.msk [tilespmem:v8+s0+$0x0], $0xffff;
	v7 =	vshll.u32 v10, $0x3;
	v9 =	vor.u32 v2, v9  }
0xc3: {  	v6 =	vor.u32 v2, v7;
	v10 =	vor.u32 v0, v9;
	v7 =	vld.idx.msk [tilespmem:v11+s3+$0x0], $0xffff  }
0xc4: {  	v9 =	vor.u32 v0, v6;
	v6 =	vld.idx.msk [tilespmem:v12+s3+$0x0], $0xffff  }
0xc5: {  	v18 =	vld.idx.msk [tilespmem:v11+s0+$0x0], $0xffff  }
0xc6: {  	v16 =	vld.idx.msk [tilespmem:v12+s0+$0x0], $0xffff;
	v19 =	vadd.s32 v3, v19  }
0xc7: {  	v13 =	vld.idx.msk [tilespmem:v5+s0+$0x0], $0xffff  }
0xc8: {  	v11 =	vld.idx.msk [tilespmem:v10+s0+$0x0], $0xffff  }
0xc9: {  	s25 =	simm.s32 $0x0;
	s26 =	simm.s32 $0x1E;
	v17 =	vadd.s32 v3, v17;
	v12 =	vld.idx.msk [tilespmem:v9+s0+$0x0], $0xffff  }
.LBB2_9:
0xca: {  	s14 =	sadd.s32 $0xFFFFFFF2, s26;
	s17 =	sadd.s32 $0xFFFFFFF6, s26;
	s21 =	sadd.s32 $0xFFFFFFFC, s26;
	v20 =	vmov s26;
	v8 =	vld.idx.msk [tilespmem:v8+s3+$0x0], $0xffff;
	v14 =	vadd.s32 v3, v14  }
0xcb: {  	s22 =	sadd.s32 $0xFFFFFFF4, s26;
	v21 =	vmov s17;
	s17 =	sadd.s32 $0xFFFFFFF8, s26;
	v22 =	vmov s21;
	s21 =	sadd.s32 $0xFFFFFFFE, s26;
	[tilespmem:v19+s4+$0x0] =	vst.idx.add.f32.msk $0xffff, v15;
	v15 =	vadd.s32 v3, v18  }
0xcc: {  	s25 =	sadd.s32 $0x8, s25;
	v18 =	vmov s22;
	s22 =	sadd.s32 $0xFFFFFFFA, s26;
	v13 =	vadd.s32 v3, v13;
	v19 =	vshll.u32 v21, $0x3;
	v10 =	vld.idx.msk [tilespmem:v10+s3+$0x0], $0xffff  }
0xcd: {  	p1 =	slt.u32 s25, $0xF0;
	v18 =	vshll.u32 v18, $0x3;
	v16 =	vadd.s32 v3, v16;
	v19 =	vor.u32 v2, v19;
	v9 =	vld.idx.msk [tilespmem:v9+s3+$0x0], $0xffff  }
0xce: {  	v21 =	vmov s14;
	v18 =	vor.u32 v2, v18;
	[tilespmem:v17+s4+$0x0] =	vst.idx.add.f32.msk $0xffff, v4;
	v4 =	vadd.s32 v3, v11  }
0xcf: {  	v11 =	vor.u32 v0, v18;
	v17 =	vshll.u32 v20, $0x3;
	v12 =	vadd.s32 v3, v12;
	v5 =	vld.idx.msk [tilespmem:v5+s3+$0x0], $0xffff  }
0xd0: {  	v18 =	vshll.u32 v21, $0x3;
	v19 =	vor.u32 v0, v19;
	v20 =	vmov s21;
	[tilespmem:v15+s4+$0x0] =	vst.idx.add.f32.msk $0xffff, v7  }
0xd1: {  	v20 =	vshll.u32 v20, $0x3;
	v7 =	vmov s17;
	v15 =	vshll.u32 v22, $0x3;
	[tilespmem:v14+s4+$0x0] =	vst.idx.add.f32.msk $0xffff, v8  }
0xd2: {  	v17 =	vor.u32 v2, v17;
	v8 =	vmov s22;
	v14 =	vor.u32 v2, v20;
	[tilespmem:v16+s4+$0x0] =	vst.idx.add.f32.msk $0xffff, v6  }
0xd3: {  	v15 =	vor.u32 v2, v15;
	v6 =	vshll.u32 v7, $0x3;
	v7 =	vshll.u32 v8, $0x3;
	[tilespmem:v4+s4+$0x0] =	vst.idx.add.f32.msk $0xffff, v10  }
0xd4: {  	v8 =	vor.u32 v0, v17;
	v7 =	vor.u32 v2, v7;
	[tilespmem:v12+s4+$0x0] =	vst.idx.add.f32.msk $0xffff, v9  }
0xd5: {  	v6 =	vor.u32 v2, v6;
	[tilespmem:v13+s4+$0x0] =	vst.idx.add.f32.msk $0xffff, v5  }
0xd6: {  	v16 =	vor.u32 v0, v14;
	v12 =	vor.u32 v0, v6;
	v5 =	vor.u32 v2, v18;
	v4 =	vld.idx.msk [tilespmem:v19+s3+$0x0], $0xffff  }
0xd7: {  	v9 =	vor.u32 v0, v7;
	v5 =	vor.u32 v0, v5;
	v17 =	vld.idx.msk [tilespmem:v19+s0+$0x0], $0xffff  }
0xd8: {  	v10 =	vor.u32 v0, v15;
	v19 =	vld.idx.msk [tilespmem:v11+s0+$0x0], $0xffff  }
0xd9: {  	v14 =	vld.idx.msk [tilespmem:v8+s0+$0x0], $0xffff  }
0xda: {  	v15 =	vld.idx.msk [tilespmem:v11+s3+$0x0], $0xffff  }
0xdb: {  	v7 =	vld.idx.msk [tilespmem:v12+s3+$0x0], $0xffff  }
0xdc: {  	v6 =	vld.idx.msk [tilespmem:v16+s3+$0x0], $0xffff  }
.Ltmp5:
0xdd: {  	v18 =	vld.idx.msk [tilespmem:v12+s0+$0x0], $0xffff;
	(pc) =	sbr.rel @p1 .LBB2_9-.Ltmp5, $4  }
0xde: {  	v19 =	vadd.s32 v3, v19;
	v13 =	vld.idx.msk [tilespmem:v5+s0+$0x0], $0xffff  }
0xdf: {  	v16 =	vld.idx.msk [tilespmem:v16+s0+$0x0], $0xffff  }
0xe0: {  	v11 =	vld.idx.msk [tilespmem:v10+s0+$0x0], $0xffff  }
0xe1: {  	s26 =	sadd.s32 $0x10, s26;
	s22 =	simm.s32 $0x1F0;
	v17 =	vadd.s32 v3, v17;
	v12 =	vld.idx.msk [tilespmem:v9+s0+$0x0], $0xffff  }
0xe2: {  	_ =	sdelay $0x3  }
0xe3: {  	v8 =	vld.idx.msk [tilespmem:v8+s3+$0x0], $0xffff  }
0xe4: {  	[tilespmem:v19+s4+$0x0] =	vst.idx.add.f32.msk $0xffff, v15;
	v61 =	vadd.s32 v3, v18  }
0xe5: {  	v14 =	vadd.s32 v3, v14;
	v10 =	vld.idx.msk [tilespmem:v10+s3+$0x0], $0xffff  }
0xe6: {  	v5 =	vld.idx.msk [tilespmem:v5+s3+$0x0], $0xffff;
	v63 =	vadd.s32 v3, v13  }
0xe7: {  	v9 =	vld.idx.msk [tilespmem:v9+s3+$0x0], $0xffff;
	v16 =	vadd.s32 v3, v16  }
0xe8: {  	[tilespmem:v17+s4+$0x0] =	vst.idx.add.f32.msk $0xffff, v4;
	v4 =	vadd.s32 v3, v11  }
0xe9: {  	v62 =	vadd.s32 v3, v12;
	[tilespmem:v61+s4+$0x0] =	vst.idx.add.f32.msk $0xffff, v7  }
0xea: {  	[tilespmem:v14+s4+$0x0] =	vst.idx.add.f32.msk $0xffff, v8  }
0xeb: {  	[tilespmem:v63+s4+$0x0] =	vst.idx.add.f32.msk $0xffff, v5  }
0xec: {  	[tilespmem:v16+s4+$0x0] =	vst.idx.add.f32.msk $0xffff, v6  }
0xed: {  	[tilespmem:v4+s4+$0x0] =	vst.idx.add.f32.msk $0xffff, v10  }
0xee: {  	[tilespmem:v62+s4+$0x0] =	vst.idx.add.f32.msk $0xffff, v9  }
.LBB2_11:
0xef: {  	v4 =	vmov s22  }
0xf0: {  	v4 =	vshll.u32 v4, $0x3  }
0xf1: {  	v4 =	vor.u32 v2, v4  }
0xf2: {  	v4 =	vor.u32 v0, v4;
	_ =	sdelay $0x4  }
0xf3: {  	v5 =	vld.idx.msk [tilespmem:v4+s0+$0x0], $0xffff;
	_ =	sdelay $0x4  }
0xf4: {  	p1 =	sne.s32 s22, $0x1F2;
	v4 =	vld.idx.msk [tilespmem:v4+s3+$0x0], $0xffff;
	v5 =	vadd.s32 v3, v5  }
.Ltmp6:
0xf5: {  	_ = 	snop;
	(pc) =	sbr.rel @p1 .LBB2_11-.Ltmp6, $2  }
0xf6: {  	_ =	sdelay $0x2  }
0xf7: {  	s22 =	sadd.s32 $0x2, s22;
	[tilespmem:v5+s4+$0x0] =	vst.idx.add.f32.msk $0xffff, v4  }
0xf8: {  	s14 =	sadd.s32 @!p0 s24, s15  }
0xf9: {  	s14 =	sshll.u32 @!p0 s14, $0x7  }
0xfa: {  	s14 =	sor.u32 @!p0 s5, s14  }
0xfb: {  	s21 =	simm.s32 @!p0 $0x8;
	s22 =	simm.s32 @!p0 $0x80;
	s14 =	sshrl.u32 @!p0 s14, $0x3  }
0xfc: {  	s25 =	simm.s32 @!p0 $0x14820;
	s26 =	simm.s32 $0x4;
	s17 =	sadd.s32 @!p0 s1, s14  }
0xfd: {  	[tilespmem:s25], [sflag:$0x2] =	stream.strided.gather @!p0 [hbm4b:s17+s21], $0xFA0, s22, s21, $0x38;
	[tilespmem:$0x1B580] =	vst v63  }
0xfe: {  	v4 =	vmov s26;
	s14 =	sadd.s32 @!p0 s2, s14;
	s17 =	simm.s32 @!p0 $0x186A0;
	s25 =	simm.s32 $0x2  }
0xff: {  	v4 =	vshll.u32 v4, $0x3;
	[tilespmem:s17], [sflag:$0x6] =	stream.strided.gather @!p0 [hbm4b:s14+s21], $0xFA0, s22, s21, $0x38;
	[tilespmem:$0x1B580] =	vst v63  }
0x100: {  	v4 =	vor.u32 v2, v4;
	v5 =	vmov s25;
	_ =	swait.ge [sflag:s18], $0xFA0  }
0x101: {  	s26 =	simm.s32 $0xE;
	v7 =	vor.u32 v0, v4;
	v5 =	vshll.u32 v5, $0x3;
	[sflag:s18] =	ssyncset.done $0x0  }
0x102: {  	v6 =	vmov s26;
	s17 =	simm.s32 $0x6;
	v4 =	vor.u32 v2, v5;
	[sflag:s18] =	ssyncadd.s32 $0xFFFFF060  }
0x103: {  	s21 =	simm.s32 $0xC;
	v5 =	vshll.u32 v6, $0x3;
	v6 =	vor.u32 v0, v4;
	v4 =	vmov s17;
	_ =	swait.ge [sflag:s19], $0xFA0  }
0x104: {  	v9 =	vmov s21;
	v5 =	vor.u32 v2, v5;
	v4 =	vshll.u32 v4, $0x3;
	[sflag:s19] =	ssyncset.done $0x0  }
0x105: {  	v8 =	vor.u32 v0, v5;
	v5 =	vshll.u32 v9, $0x3;
	v9 =	vor.u32 v2, v4;
	[sflag:s19] =	ssyncadd.s32 $0xFFFFF060  }
0x106: {  	s22 =	simm.s32 $0x0;
	v5 =	vor.u32 v2, v5;
	v11 =	vor.u32 v0, v9;
	v4 =	vld.idx.msk [tilespmem:v7+s7+$0x0], $0xffff  }
0x107: {  	s25 =	simm.s32 $0xA;
	v10 =	vmov s22;
	v12 =	vor.u32 v0, v5;
	v17 =	vld.idx.msk [tilespmem:v7+s6+$0x0], $0xffff  }
0x108: {  	s26 =	simm.s32 $0x8;
	v9 =	vshll.u32 v10, $0x3;
	v5 =	vmov s25;
	v19 =	vld.idx.msk [tilespmem:v6+s6+$0x0], $0xffff  }
0x109: {  	v10 =	vmov s26;
	v7 =	vor.u32 v2, v9;
	v9 =	vshll.u32 v5, $0x3;
	v15 =	vld.idx.msk [tilespmem:v6+s7+$0x0], $0xffff  }
0x10a: {  	v5 =	vor.u32 v0, v7;
	v14 =	vld.idx.msk [tilespmem:v8+s6+$0x0], $0xffff;
	v7 =	vshll.u32 v10, $0x3;
	v9 =	vor.u32 v2, v9  }
0x10b: {  	v6 =	vor.u32 v2, v7;
	v10 =	vor.u32 v0, v9;
	v7 =	vld.idx.msk [tilespmem:v11+s7+$0x0], $0xffff  }
0x10c: {  	v9 =	vor.u32 v0, v6;
	v6 =	vld.idx.msk [tilespmem:v12+s7+$0x0], $0xffff  }
0x10d: {  	v18 =	vld.idx.msk [tilespmem:v11+s6+$0x0], $0xffff  }
0x10e: {  	v16 =	vld.idx.msk [tilespmem:v12+s6+$0x0], $0xffff;
	v19 =	vadd.s32 v3, v19  }
0x10f: {  	v13 =	vld.idx.msk [tilespmem:v5+s6+$0x0], $0xffff  }
0x110: {  	v11 =	vld.idx.msk [tilespmem:v10+s6+$0x0], $0xffff  }
0x111: {  	s25 =	simm.s32 $0x0;
	s26 =	simm.s32 $0x1E;
	v17 =	vadd.s32 v3, v17;
	v12 =	vld.idx.msk [tilespmem:v9+s6+$0x0], $0xffff  }
.LBB2_13:
0x112: {  	s14 =	sadd.s32 $0xFFFFFFF2, s26;
	s17 =	sadd.s32 $0xFFFFFFF6, s26;
	s21 =	sadd.s32 $0xFFFFFFFC, s26;
	v20 =	vmov s26;
	v8 =	vld.idx.msk [tilespmem:v8+s7+$0x0], $0xffff;
	v14 =	vadd.s32 v3, v14  }
0x113: {  	s22 =	sadd.s32 $0xFFFFFFF4, s26;
	v21 =	vmov s17;
	s17 =	sadd.s32 $0xFFFFFFF8, s26;
	v22 =	vmov s21;
	s21 =	sadd.s32 $0xFFFFFFFE, s26;
	[tilespmem:v19+s4+$0x0] =	vst.idx.add.f32.msk $0xffff, v15;
	v15 =	vadd.s32 v3, v18  }
0x114: {  	s25 =	sadd.s32 $0x8, s25;
	v18 =	vmov s22;
	s22 =	sadd.s32 $0xFFFFFFFA, s26;
	v13 =	vadd.s32 v3, v13;
	v19 =	vshll.u32 v21, $0x3;
	v10 =	vld.idx.msk [tilespmem:v10+s7+$0x0], $0xffff  }
0x115: {  	p1 =	slt.u32 s25, $0xF0;
	v18 =	vshll.u32 v18, $0x3;
	v16 =	vadd.s32 v3, v16;
	v19 =	vor.u32 v2, v19;
	v9 =	vld.idx.msk [tilespmem:v9+s7+$0x0], $0xffff  }
0x116: {  	v21 =	vmov s14;
	v18 =	vor.u32 v2, v18;
	[tilespmem:v17+s4+$0x0] =	vst.idx.add.f32.msk $0xffff, v4;
	v4 =	vadd.s32 v3, v11  }
0x117: {  	v11 =	vor.u32 v0, v18;
	v17 =	vshll.u32 v20, $0x3;
	v12 =	vadd.s32 v3, v12;
	v5 =	vld.idx.msk [tilespmem:v5+s7+$0x0], $0xffff  }
0x118: {  	v18 =	vshll.u32 v21, $0x3;
	v19 =	vor.u32 v0, v19;
	v20 =	vmov s21;
	[tilespmem:v15+s4+$0x0] =	vst.idx.add.f32.msk $0xffff, v7  }
0x119: {  	v20 =	vshll.u32 v20, $0x3;
	v7 =	vmov s17;
	v15 =	vshll.u32 v22, $0x3;
	[tilespmem:v14+s4+$0x0] =	vst.idx.add.f32.msk $0xffff, v8  }
0x11a: {  	v17 =	vor.u32 v2, v17;
	v8 =	vmov s22;
	v14 =	vor.u32 v2, v20;
	[tilespmem:v16+s4+$0x0] =	vst.idx.add.f32.msk $0xffff, v6  }
0x11b: {  	v15 =	vor.u32 v2, v15;
	v6 =	vshll.u32 v7, $0x3;
	v7 =	vshll.u32 v8, $0x3;
	[tilespmem:v4+s4+$0x0] =	vst.idx.add.f32.msk $0xffff, v10  }
0x11c: {  	v8 =	vor.u32 v0, v17;
	v7 =	vor.u32 v2, v7;
	[tilespmem:v12+s4+$0x0] =	vst.idx.add.f32.msk $0xffff, v9  }
0x11d: {  	v6 =	vor.u32 v2, v6;
	[tilespmem:v13+s4+$0x0] =	vst.idx.add.f32.msk $0xffff, v5  }
0x11e: {  	v16 =	vor.u32 v0, v14;
	v12 =	vor.u32 v0, v6;
	v5 =	vor.u32 v2, v18;
	v4 =	vld.idx.msk [tilespmem:v19+s7+$0x0], $0xffff  }
0x11f: {  	v9 =	vor.u32 v0, v7;
	v5 =	vor.u32 v0, v5;
	v17 =	vld.idx.msk [tilespmem:v19+s6+$0x0], $0xffff  }
0x120: {  	v10 =	vor.u32 v0, v15;
	v19 =	vld.idx.msk [tilespmem:v11+s6+$0x0], $0xffff  }
0x121: {  	v14 =	vld.idx.msk [tilespmem:v8+s6+$0x0], $0xffff  }
0x122: {  	v15 =	vld.idx.msk [tilespmem:v11+s7+$0x0], $0xffff  }
0x123: {  	v7 =	vld.idx.msk [tilespmem:v12+s7+$0x0], $0xffff  }
0x124: {  	v6 =	vld.idx.msk [tilespmem:v16+s7+$0x0], $0xffff  }
.Ltmp7:
0x125: {  	v18 =	vld.idx.msk [tilespmem:v12+s6+$0x0], $0xffff;
	(pc) =	sbr.rel @p1 .LBB2_13-.Ltmp7, $4  }
0x126: {  	v19 =	vadd.s32 v3, v19;
	v13 =	vld.idx.msk [tilespmem:v5+s6+$0x0], $0xffff  }
0x127: {  	v16 =	vld.idx.msk [tilespmem:v16+s6+$0x0], $0xffff  }
0x128: {  	v11 =	vld.idx.msk [tilespmem:v10+s6+$0x0], $0xffff  }
0x129: {  	s26 =	sadd.s32 $0x10, s26;
	s22 =	simm.s32 $0x1F0;
	v17 =	vadd.s32 v3, v17;
	v12 =	vld.idx.msk [tilespmem:v9+s6+$0x0], $0xffff  }
0x12a: {  	_ =	sdelay $0x3  }
0x12b: {  	v8 =	vld.idx.msk [tilespmem:v8+s7+$0x0], $0xffff  }
0x12c: {  	[tilespmem:v19+s4+$0x0] =	vst.idx.add.f32.msk $0xffff, v15;
	v61 =	vadd.s32 v3, v18  }
0x12d: {  	v14 =	vadd.s32 v3, v14;
	v10 =	vld.idx.msk [tilespmem:v10+s7+$0x0], $0xffff  }
0x12e: {  	v5 =	vld.idx.msk [tilespmem:v5+s7+$0x0], $0xffff;
	v63 =	vadd.s32 v3, v13  }
0x12f: {  	v9 =	vld.idx.msk [tilespmem:v9+s7+$0x0], $0xffff;
	v16 =	vadd.s32 v3, v16  }
0x130: {  	[tilespmem:v17+s4+$0x0] =	vst.idx.add.f32.msk $0xffff, v4;
	v4 =	vadd.s32 v3, v11  }
0x131: {  	v62 =	vadd.s32 v3, v12;
	[tilespmem:v61+s4+$0x0] =	vst.idx.add.f32.msk $0xffff, v7  }
0x132: {  	[tilespmem:v14+s4+$0x0] =	vst.idx.add.f32.msk $0xffff, v8  }
0x133: {  	[tilespmem:v63+s4+$0x0] =	vst.idx.add.f32.msk $0xffff, v5  }
0x134: {  	[tilespmem:v16+s4+$0x0] =	vst.idx.add.f32.msk $0xffff, v6  }
0x135: {  	[tilespmem:v4+s4+$0x0] =	vst.idx.add.f32.msk $0xffff, v10  }
0x136: {  	[tilespmem:v62+s4+$0x0] =	vst.idx.add.f32.msk $0xffff, v9  }
.LBB2_15:
0x137: {  	v4 =	vmov s22  }
0x138: {  	v4 =	vshll.u32 v4, $0x3  }
0x139: {  	v4 =	vor.u32 v2, v4  }
0x13a: {  	v4 =	vor.u32 v0, v4;
	_ =	sdelay $0x4  }
0x13b: {  	v5 =	vld.idx.msk [tilespmem:v4+s6+$0x0], $0xffff;
	_ =	sdelay $0x4  }
0x13c: {  	p1 =	sne.s32 s22, $0x1F2;
	v4 =	vld.idx.msk [tilespmem:v4+s7+$0x0], $0xffff;
	v5 =	vadd.s32 v3, v5  }
.Ltmp8:
0x13d: {  	_ = 	snop;
	(pc) =	sbr.rel @p1 .LBB2_15-.Ltmp8, $2  }
0x13e: {  	_ =	sdelay $0x2  }
0x13f: {  	s22 =	sadd.s32 $0x2, s22;
	[tilespmem:v5+s4+$0x0] =	vst.idx.add.f32.msk $0xffff, v4  }
0x140: {  	s14 =	sadd.s32 @!p0 s24, s16  }
0x141: {  	s14 =	sshll.u32 @!p0 s14, $0x7  }
0x142: {  	s14 =	sor.u32 @!p0 s5, s14  }
0x143: {  	s21 =	simm.s32 @!p0 $0x8;
	s22 =	simm.s32 @!p0 $0x80;
	s14 =	sshrl.u32 @!p0 s14, $0x3  }
0x144: {  	s24 =	simm.s32 @!p0 $0x157C0;
	s26 =	simm.s32 $0x4;
	s17 =	sadd.s32 @!p0 s1, s14  }
0x145: {  	[tilespmem:s24], [sflag:$0x3] =	stream.strided.gather @!p0 [hbm4b:s17+s21], $0xFA0, s22, s21, $0x38;
	[tilespmem:$0x1B580] =	vst v63  }
0x146: {  	s25 =	simm.s32 $0x2;
	v4 =	vmov s26;
	s14 =	sadd.s32 @!p0 s2, s14;
	s17 =	simm.s32 @!p0 $0x19640  }
0x147: {  	v4 =	vshll.u32 v4, $0x3;
	[tilespmem:s17], [sflag:$0x7] =	stream.strided.gather @!p0 [hbm4b:s14+s21], $0xFA0, s22, s21, $0x38;
	[tilespmem:$0x1B580] =	vst v63  }
0x148: {  	s26 =	simm.s32 $0xE;
	v5 =	vmov s25;
	v4 =	vor.u32 v2, v4;
	_ =	swait.ge [sflag:s20], $0xFA0  }
0x149: {  	v6 =	vmov s26;
	v5 =	vshll.u32 v5, $0x3;
	v7 =	vor.u32 v0, v4;
	[sflag:s20] =	ssyncset.done $0x0  }
0x14a: {  	v4 =	vor.u32 v2, v5;
	v5 =	vshll.u32 v6, $0x3;
	s21 =	simm.s32 $0x6;
	[sflag:s20] =	ssyncadd.s32 $0xFFFFF060  }
0x14b: {  	v6 =	vor.u32 v0, v4;
	v5 =	vor.u32 v2, v5;
	s22 =	simm.s32 $0xC;
	v4 =	vmov s21;
	_ =	swait.ge [sflag:s28], $0xFA0  }
0x14c: {  	v8 =	vor.u32 v0, v5;
	v9 =	vmov s22;
	v4 =	vshll.u32 v4, $0x3;
	[sflag:s28] =	ssyncset.done $0x0  }
0x14d: {  	v5 =	vshll.u32 v9, $0x3;
	v9 =	vor.u32 v2, v4;
	[sflag:s28] =	ssyncadd.s32 $0xFFFFF060  }
0x14e: {  	s24 =	simm.s32 $0x0;
	v11 =	vor.u32 v0, v9;
	v4 =	vld.idx.msk [tilespmem:v7+s9+$0x0], $0xffff  }
0x14f: {  	s25 =	simm.s32 $0xA;
	v10 =	vmov s24;
	v5 =	vor.u32 v2, v5;
	v17 =	vld.idx.msk [tilespmem:v7+s8+$0x0], $0xffff  }
0x150: {  	s26 =	simm.s32 $0x8;
	v9 =	vshll.u32 v10, $0x3;
	v12 =	vor.u32 v0, v5;
	v5 =	vmov s25;
	v19 =	vld.idx.msk [tilespmem:v6+s8+$0x0], $0xffff  }
0x151: {  	v10 =	vmov s26;
	v7 =	vor.u32 v2, v9;
	v9 =	vshll.u32 v5, $0x3;
	v14 =	vld.idx.msk [tilespmem:v8+s8+$0x0], $0xffff  }
0x152: {  	v15 =	vld.idx.msk [tilespmem:v6+s9+$0x0], $0xffff;
	v5 =	vor.u32 v0, v7;
	v7 =	vshll.u32 v10, $0x3;
	v9 =	vor.u32 v2, v9  }
0x153: {  	v6 =	vor.u32 v2, v7;
	v10 =	vor.u32 v0, v9;
	v7 =	vld.idx.msk [tilespmem:v11+s9+$0x0], $0xffff  }
0x154: {  	v18 =	vld.idx.msk [tilespmem:v11+s8+$0x0], $0xffff;
	v9 =	vor.u32 v0, v6  }
0x155: {  	v16 =	vld.idx.msk [tilespmem:v12+s8+$0x0], $0xffff  }
0x156: {  	v6 =	vld.idx.msk [tilespmem:v12+s9+$0x0], $0xffff;
	v19 =	vadd.s32 v3, v19  }
0x157: {  	v13 =	vld.idx.msk [tilespmem:v5+s8+$0x0], $0xffff  }
0x158: {  	v11 =	vld.idx.msk [tilespmem:v10+s8+$0x0], $0xffff  }
0x159: {  	s24 =	simm.s32 $0x0;
	s25 =	simm.s32 $0x1E;
	v17 =	vadd.s32 v3, v17;
	v12 =	vld.idx.msk [tilespmem:v9+s8+$0x0], $0xffff  }
.LBB2_17:
0x15a: {  	s14 =	sadd.s32 $0xFFFFFFF2, s25;
	s17 =	sadd.s32 $0xFFFFFFF6, s25;
	s21 =	sadd.s32 $0xFFFFFFFC, s25;
	v20 =	vmov s25;
	v8 =	vld.idx.msk [tilespmem:v8+s9+$0x0], $0xffff;
	v14 =	vadd.s32 v3, v14  }
0x15b: {  	s22 =	sadd.s32 $0xFFFFFFF4, s25;
	v21 =	vmov s17;
	s17 =	sadd.s32 $0xFFFFFFF8, s25;
	v22 =	vmov s21;
	s21 =	sadd.s32 $0xFFFFFFFE, s25;
	[tilespmem:v19+s4+$0x0] =	vst.idx.add.f32.msk $0xffff, v15;
	v15 =	vadd.s32 v3, v18  }
0x15c: {  	s24 =	sadd.s32 $0x8, s24;
	v18 =	vmov s22;
	s22 =	sadd.s32 $0xFFFFFFFA, s25;
	v13 =	vadd.s32 v3, v13;
	v19 =	vshll.u32 v21, $0x3;
	v10 =	vld.idx.msk [tilespmem:v10+s9+$0x0], $0xffff  }
0x15d: {  	p1 =	slt.u32 s24, $0xF0;
	v18 =	vshll.u32 v18, $0x3;
	v16 =	vadd.s32 v3, v16;
	v19 =	vor.u32 v2, v19;
	v9 =	vld.idx.msk [tilespmem:v9+s9+$0x0], $0xffff  }
0x15e: {  	v21 =	vmov s14;
	v18 =	vor.u32 v2, v18;
	[tilespmem:v17+s4+$0x0] =	vst.idx.add.f32.msk $0xffff, v4;
	v4 =	vadd.s32 v3, v11  }
0x15f: {  	v11 =	vor.u32 v0, v18;
	v17 =	vshll.u32 v20, $0x3;
	v12 =	vadd.s32 v3, v12;
	v5 =	vld.idx.msk [tilespmem:v5+s9+$0x0], $0xffff  }
0x160: {  	v18 =	vshll.u32 v21, $0x3;
	v19 =	vor.u32 v0, v19;
	v20 =	vmov s21;
	[tilespmem:v15+s4+$0x0] =	vst.idx.add.f32.msk $0xffff, v7  }
0x161: {  	v20 =	vshll.u32 v20, $0x3;
	v7 =	vmov s17;
	v15 =	vshll.u32 v22, $0x3;
	[tilespmem:v14+s4+$0x0] =	vst.idx.add.f32.msk $0xffff, v8  }
0x162: {  	v17 =	vor.u32 v2, v17;
	v8 =	vmov s22;
	v14 =	vor.u32 v2, v20;
	[tilespmem:v16+s4+$0x0] =	vst.idx.add.f32.msk $0xffff, v6  }
0x163: {  	v15 =	vor.u32 v2, v15;
	v6 =	vshll.u32 v7, $0x3;
	v7 =	vshll.u32 v8, $0x3;
	[tilespmem:v4+s4+$0x0] =	vst.idx.add.f32.msk $0xffff, v10  }
0x164: {  	v8 =	vor.u32 v0, v17;
	v7 =	vor.u32 v2, v7;
	[tilespmem:v12+s4+$0x0] =	vst.idx.add.f32.msk $0xffff, v9  }
0x165: {  	v6 =	vor.u32 v2, v6;
	[tilespmem:v13+s4+$0x0] =	vst.idx.add.f32.msk $0xffff, v5  }
0x166: {  	v16 =	vor.u32 v0, v14;
	v12 =	vor.u32 v0, v6;
	v5 =	vor.u32 v2, v18;
	v4 =	vld.idx.msk [tilespmem:v19+s9+$0x0], $0xffff  }
0x167: {  	v9 =	vor.u32 v0, v7;
	v5 =	vor.u32 v0, v5;
	v17 =	vld.idx.msk [tilespmem:v19+s8+$0x0], $0xffff  }
0x168: {  	v10 =	vor.u32 v0, v15;
	v19 =	vld.idx.msk [tilespmem:v11+s8+$0x0], $0xffff  }
0x169: {  	v14 =	vld.idx.msk [tilespmem:v8+s8+$0x0], $0xffff  }
0x16a: {  	v15 =	vld.idx.msk [tilespmem:v11+s9+$0x0], $0xffff  }
0x16b: {  	v7 =	vld.idx.msk [tilespmem:v12+s9+$0x0], $0xffff  }
0x16c: {  	v6 =	vld.idx.msk [tilespmem:v16+s9+$0x0], $0xffff  }
.Ltmp9:
0x16d: {  	v18 =	vld.idx.msk [tilespmem:v12+s8+$0x0], $0xffff;
	(pc) =	sbr.rel @p1 .LBB2_17-.Ltmp9, $4  }
0x16e: {  	v19 =	vadd.s32 v3, v19;
	v13 =	vld.idx.msk [tilespmem:v5+s8+$0x0], $0xffff  }
0x16f: {  	v16 =	vld.idx.msk [tilespmem:v16+s8+$0x0], $0xffff  }
0x170: {  	v11 =	vld.idx.msk [tilespmem:v10+s8+$0x0], $0xffff  }
0x171: {  	s25 =	sadd.s32 $0x10, s25;
	s22 =	simm.s32 $0x1F0;
	v17 =	vadd.s32 v3, v17;
	v12 =	vld.idx.msk [tilespmem:v9+s8+$0x0], $0xffff  }
0x172: {  	_ =	sdelay $0x3  }
0x173: {  	v8 =	vld.idx.msk [tilespmem:v8+s9+$0x0], $0xffff  }
0x174: {  	[tilespmem:v19+s4+$0x0] =	vst.idx.add.f32.msk $0xffff, v15;
	v61 =	vadd.s32 v3, v18  }
0x175: {  	v14 =	vadd.s32 v3, v14;
	v10 =	vld.idx.msk [tilespmem:v10+s9+$0x0], $0xffff  }
0x176: {  	v5 =	vld.idx.msk [tilespmem:v5+s9+$0x0], $0xffff;
	v63 =	vadd.s32 v3, v13  }
0x177: {  	v9 =	vld.idx.msk [tilespmem:v9+s9+$0x0], $0xffff;
	v16 =	vadd.s32 v3, v16  }
0x178: {  	[tilespmem:v17+s4+$0x0] =	vst.idx.add.f32.msk $0xffff, v4;
	v4 =	vadd.s32 v3, v11  }
0x179: {  	v62 =	vadd.s32 v3, v12;
	[tilespmem:v61+s4+$0x0] =	vst.idx.add.f32.msk $0xffff, v7  }
0x17a: {  	[tilespmem:v14+s4+$0x0] =	vst.idx.add.f32.msk $0xffff, v8  }
0x17b: {  	[tilespmem:v63+s4+$0x0] =	vst.idx.add.f32.msk $0xffff, v5  }
0x17c: {  	[tilespmem:v16+s4+$0x0] =	vst.idx.add.f32.msk $0xffff, v6  }
0x17d: {  	[tilespmem:v4+s4+$0x0] =	vst.idx.add.f32.msk $0xffff, v10  }
0x17e: {  	[tilespmem:v62+s4+$0x0] =	vst.idx.add.f32.msk $0xffff, v9  }
.LBB2_19:
0x17f: {  	v4 =	vmov s22  }
0x180: {  	v4 =	vshll.u32 v4, $0x3  }
0x181: {  	v4 =	vor.u32 v2, v4  }
0x182: {  	v4 =	vor.u32 v0, v4;
	_ =	sdelay $0x4  }
0x183: {  	v5 =	vld.idx.msk [tilespmem:v4+s8+$0x0], $0xffff;
	_ =	sdelay $0x4  }
0x184: {  	p1 =	sne.s32 s22, $0x1F2;
	v4 =	vld.idx.msk [tilespmem:v4+s9+$0x0], $0xffff;
	v5 =	vadd.s32 v3, v5  }
.Ltmp10:
0x185: {  	_ = 	snop;
	(pc) =	sbr.rel @p1 .LBB2_19-.Ltmp10, $2  }
0x186: {  	_ =	sdelay $0x2  }
0x187: {  	s22 =	sadd.s32 $0x2, s22;
	[tilespmem:v5+s4+$0x0] =	vst.idx.add.f32.msk $0xffff, v4  }
.Ltmp11:
0x188: {  	(pc) =	sbr.rel @p0 .LBB2_22-.Ltmp11, $1  }
0x189: {  	_ =	sdelay $0x3  }
0x18a: {  	s14 =	smul.u32 $0x7D0, s23  }
0x18b: {  	s17 =	rddreg [dreg:$0xe]  }
0x18c: {  	s14 =	sadd.s32 s14, s17  }
0x18d: {  	s14 =	sshll.u32 s14, $0x7  }
0x18e: {  	s14 =	sor.u32 s5, s14  }
.Ltmp12:
0x18f: {  	s14 =	sshrl.u32 s14, $0x3;
	(pc) =	sbr.rel .LBB2_4-.Ltmp12, $4  }
0x190: {  	s26 =	sadd.s32 s1, s14  }
0x191: {  	[tilespmem:s8], [sflag:$0x4] =	stream.strided.gather [hbm4b:s26+s28], $0xFA0, s29, s28, $0x38;
	[tilespmem:$0x1B580] =	vst v63  }
0x192: {  	s23 =	sadd.s32 $0x1, s23;
	s14 =	sadd.s32 s2, s14  }
0x193: {  	[tilespmem:s9], [sflag:$0x8] =	stream.strided.gather [hbm4b:s14+s28], $0xFA0, s29, s28, $0x38;
	[tilespmem:$0x1B580] =	vst v63  }
.LBB2_23:
0x194: {  	_ =	sfence.sel $0x180000  }
0x195: {  	[bflag:$0x0] =	sbarrier.arrive $0xFFFF  }
0x196: {  	_ =	strace $0x90000047  }
0x197: {  	s0 =	stileid.u32;
	[bflag:$0x2] =	sbarrier.arrive $0xFFFF  }
0x198: {  	p0 =	sne.s32 s0, $0x0;
	s0 =	rddreg [dreg:$0x4]  }
0x199: {  	s0 =	sadd.s32 @!p0 $0x100000, s0  }
0x19a: {  	[sflag:s0] =	ssyncadd.tile.s32 @!p0 $0x1;
	_ =	shalt  }
.Lfunc_end2:
_tile_overlayer_lowered:
.L_overlay_start_2:
0x19b: {  	(tag) =	ssettag $0x2  }
0x19c: {  	s0 =	rddreg [dreg:$0x0];
	s2 =	stileid.u32  }
0x19d: {  	s1 =	rddreg [dreg:$0x1];
	p0 =	sne.s32 s2, $0x0  }
0x19e: {  	s3 =	rddreg [dreg:$0x2];
	[bflag:$0x3] =	sbarrier.arrive $0xFFFF;
	s2 =	simm.s32 @!p0 $0x1C09  }
0x19f: {  	[timem:s3], [sflag:s2] =	dma.local @!p0 [hbm:s0], s1  }
0x1a0: {  	s0 =	simm.s32 @!p0 $0x9  }
0x1a1: {  	_ =	swait.ge @!p0 [sflag:s0], s1  }
0x1a2: {  	s1 =	ssub.s32 @!p0 $0x0, s1;
	[sflag:s0] =	ssyncset.done @!p0 $0x0  }
0x1a3: {  	[sflag:s0] =	ssyncadd.s32 @!p0 s1  }
0x1a4: {  	[bflag:$0x3] =	sbarrier.arrive $0xFFFF  }
0x1a5: {  	_ =	shalt  }

</sc_bundles>
